<compile_context>
chip_gen: v7x
topology: tpu7x:2x2x1
jax: 0.10.2.dev20260603
libtpu: 0.0.44.dev20260713+nightly
codegen_flags: <defaults>
</compile_context>

<pallas_src>
import functools

import jax
import jax.numpy as jnp
from jax import lax
from jax.experimental import pallas as pl
from jax.experimental.pallas import tpu as pltpu

_N = 20000
_PAD = 20480
_K = 640
_NCHUNK = _K // 128
_MAX_OUT = 500
_KSLOT = 4
_SLOTS = 640
_LANES = 128
_THR = 0.5


def _nms_chunked_body(rows_ref, out_ref, flag_ref,
                      kx1_ref, ky1_ref, kx2_ref, ky2_ref, karea_ref,
                      oacc_ref, kl_ref):
    out_ref[...] = jnp.zeros((_MAX_OUT, 5), jnp.float32)
    kx1_ref[...] = jnp.full((_SLOTS, _LANES), -1e9, jnp.float32)
    ky1_ref[...] = jnp.full((_SLOTS, _LANES), -1e9, jnp.float32)
    kx2_ref[...] = jnp.full((_SLOTS, _LANES), -1e9, jnp.float32)
    ky2_ref[...] = jnp.full((_SLOTS, _LANES), -1e9, jnp.float32)
    karea_ref[...] = jnp.zeros((_SLOTS, _LANES), jnp.float32)
    oacc_ref[...] = jnp.zeros((_SLOTS, 8), jnp.float32)

    sub2 = lax.broadcasted_iota(jnp.int32, (_LANES, _LANES), 0)
    lane2 = lax.broadcasted_iota(jnp.int32, (_LANES, _LANES), 1)
    ltri = (sub2 < lane2).astype(jnp.float32)

    count = jnp.int32(0)
    for cidx in range(_NCHUNK):
        active = count < _MAX_OUT

        def getS(i, c=cidx):
            return rows_ref[c * _LANES:(c + 1) * _LANES, i:i + 1]

        def tr(vS):
            return jnp.sum(jnp.where(sub2 == lane2, vS, 0.0), axis=0,
                           keepdims=True)

        bx1S, by1S, bx2S, by2S, bsS = getS(0), getS(1), getS(2), getS(3), getS(4)
        areaS = (bx2S - bx1S) * (by2S - by1S)
        bx1L, by1L, bx2L, by2L = tr(bx1S), tr(by1S), tr(bx2S), tr(by2S)
        areaL = tr(areaS)

        if cidx == 0:
            alive0 = jnp.ones((1, _LANES), jnp.bool_)
        else:
            nsl = cidx * _LANES
            xx1 = jnp.maximum(kx1_ref[0:nsl, :], bx1L)
            yy1 = jnp.maximum(ky1_ref[0:nsl, :], by1L)
            xx2 = jnp.minimum(kx2_ref[0:nsl, :], bx2L)
            yy2 = jnp.minimum(ky2_ref[0:nsl, :], by2L)
            w = jnp.maximum(xx2 - xx1, 0.0)
            h = jnp.maximum(yy2 - yy1, 0.0)
            inter = w * h
            iou = inter / (areaL + karea_ref[0:nsl, :] - inter + 1e-6)
            alive0 = jnp.logical_not(
                jnp.any(iou >= _THR, axis=0, keepdims=True))

        mx1 = jnp.maximum(bx1S, bx1L)
        my1 = jnp.maximum(by1S, by1L)
        mx2 = jnp.minimum(bx2S, bx2L)
        my2 = jnp.minimum(by2S, by2L)
        mw = jnp.maximum(mx2 - mx1, 0.0)
        mh = jnp.maximum(my2 - my1, 0.0)
        minter = mw * mh
        miou = minter / (areaS + areaL - minter + 1e-6)
        mhit = jnp.logical_and(miou >= _THR, sub2 < lane2)

        kl_ref[...] = alive0.astype(jnp.int32)

        def fix_body(_):
            kl = kl_ref[...] != 0
            ks = jnp.any(jnp.logical_and(lane2 == sub2, kl), axis=1,
                         keepdims=True)
            sup = jnp.any(jnp.logical_and(mhit, ks), axis=0,
                          keepdims=True)
            knew = jnp.logical_and(alive0, jnp.logical_not(sup))
            kl_ref[...] = knew.astype(jnp.int32)
            return jnp.any(knew != kl)

        lax.while_loop(lambda c: c, fix_body, True)
        keepL = kl_ref[...] != 0
        keepf = keepL.astype(jnp.float32)

        keepS = jnp.any(jnp.logical_and(lane2 == sub2, keepL), axis=1,
                        keepdims=True)

        prefixL = lax.dot_general(keepf, ltri, (((1,), (0,)), ((), ())),
                                  precision=lax.Precision.DEFAULT)
        pmat = jnp.logical_and(sub2 == prefixL.astype(jnp.int32),
                               keepL).astype(jnp.float32)
        vmat = jnp.concatenate([bx1S, by1S, bx2S, by2S, bsS,
                                jnp.zeros((_LANES, 3), jnp.float32)],
                               axis=1)
        compact = lax.dot_general(pmat, vmat, (((1,), (0,)), ((), ())),
                                  precision=lax.Precision.HIGHEST)

        @pl.when(active)
        def _(c=cidx, keepS=keepS, bx1S=bx1S, by1S=by1S, bx2S=bx2S,
              by2S=by2S, areaS=areaS, compact=compact, count=count):
            base = c * _LANES
            kx1_ref[base:base + _LANES, :] = jnp.broadcast_to(
                jnp.where(keepS, bx1S, -1e9), (_LANES, _LANES))
            ky1_ref[base:base + _LANES, :] = jnp.broadcast_to(
                jnp.where(keepS, by1S, -1e9), (_LANES, _LANES))
            kx2_ref[base:base + _LANES, :] = jnp.broadcast_to(
                jnp.where(keepS, bx2S, -1e9), (_LANES, _LANES))
            ky2_ref[base:base + _LANES, :] = jnp.broadcast_to(
                jnp.where(keepS, by2S, -1e9), (_LANES, _LANES))
            karea_ref[base:base + _LANES, :] = jnp.broadcast_to(
                jnp.where(keepS, areaS, 0.0), (_LANES, _LANES))
            oacc_ref[pl.ds(count, _LANES), :] = compact

        nkeep = jnp.sum(keepf).astype(jnp.int32)
        count = jnp.where(active, count + nkeep, count)

    out_ref[...] = oacc_ref[0:_MAX_OUT, 0:5]
    flag_ref[...] = jnp.reshape((count < _MAX_OUT).astype(jnp.int32), (1, 1))


def _run_nms_chunked(rows):
    return pl.pallas_call(
        _nms_chunked_body,
        out_shape=(
            jax.ShapeDtypeStruct((_MAX_OUT, 5), jnp.float32),
            jax.ShapeDtypeStruct((1, 1), jnp.int32),
        ),
        scratch_shapes=[pltpu.VMEM((_SLOTS, _LANES), jnp.float32)] * 5
        + [pltpu.VMEM((_SLOTS, 8), jnp.float32),
           pltpu.VMEM((1, _LANES), jnp.int32)],
    )(rows)


def _nms_body(nlimit, planes_ref, out_ref, flag_ref,
              kx1_ref, ky1_ref, kx2_ref, ky2_ref, karea_ref):
    out_ref[...] = jnp.zeros((_MAX_OUT, 5), jnp.float32)
    kx1_ref[...] = jnp.zeros((_KSLOT, _LANES), jnp.float32)
    ky1_ref[...] = jnp.zeros((_KSLOT, _LANES), jnp.float32)
    kx2_ref[...] = jnp.zeros((_KSLOT, _LANES), jnp.float32)
    ky2_ref[...] = jnp.zeros((_KSLOT, _LANES), jnp.float32)
    karea_ref[...] = jnp.zeros((_KSLOT, _LANES), jnp.float32)

    lane_iota = lax.broadcasted_iota(jnp.int32, (1, 1, _LANES), 2)
    slot_rows = lax.broadcasted_iota(jnp.int32, (_KSLOT, _LANES), 0)
    slot_lanes = lax.broadcasted_iota(jnp.int32, (_KSLOT, _LANES), 1)
    slot_iota = slot_rows * _LANES + slot_lanes

    def cond(state):
        p, count = state
        return jnp.logical_and(count < _MAX_OUT, p < nlimit)

    def body(state):
        p, count = state
        r = p // _LANES
        c = p - r * _LANES
        blk = planes_ref[:, pl.ds(r, 1), :]
        sel = jnp.sum(jnp.where(lane_iota == c, blk, 0.0), axis=2)
        bx1 = sel[0:1, :]
        by1 = sel[1:2, :]
        bx2 = sel[2:3, :]
        by2 = sel[3:4, :]
        bs = sel[4:5, :]

        xx1 = jnp.maximum(kx1_ref[...], bx1)
        yy1 = jnp.maximum(ky1_ref[...], by1)
        xx2 = jnp.minimum(kx2_ref[...], bx2)
        yy2 = jnp.minimum(ky2_ref[...], by2)
        w = jnp.maximum(xx2 - xx1, 0.0)
        h = jnp.maximum(yy2 - yy1, 0.0)
        inter = w * h
        area_a = (bx2 - bx1) * (by2 - by1)
        iou = inter / (area_a + karea_ref[...] - inter + 1e-6)
        hit = jnp.logical_and(iou >= _THR, slot_iota < count)
        keep = jnp.logical_not(jnp.any(hit))

        @pl.when(keep)
        def _():
            onehot = slot_iota == count
            kx1_ref[...] = jnp.where(onehot, bx1, kx1_ref[...])
            ky1_ref[...] = jnp.where(onehot, by1, ky1_ref[...])
            kx2_ref[...] = jnp.where(onehot, bx2, kx2_ref[...])
            ky2_ref[...] = jnp.where(onehot, by2, ky2_ref[...])
            karea_ref[...] = jnp.where(onehot, area_a, karea_ref[...])
            out_ref[pl.ds(count, 1), 0:1] = bx1
            out_ref[pl.ds(count, 1), 1:2] = by1
            out_ref[pl.ds(count, 1), 2:3] = bx2
            out_ref[pl.ds(count, 1), 3:4] = by2
            out_ref[pl.ds(count, 1), 4:5] = bs

        return (p + 1, count + keep.astype(jnp.int32))

    _, count = lax.while_loop(cond, body, (jnp.int32(0), jnp.int32(0)))
    flag_ref[...] = jnp.reshape((count < _MAX_OUT).astype(jnp.int32), (1, 1))


def _run_nms(planes, nlimit):
    return pl.pallas_call(
        functools.partial(_nms_body, nlimit),
        out_shape=(
            jax.ShapeDtypeStruct((_MAX_OUT, 5), jnp.float32),
            jax.ShapeDtypeStruct((1, 1), jnp.int32),
        ),
        scratch_shapes=[pltpu.VMEM((_KSLOT, _LANES), jnp.float32)] * 5,
    )(planes)


def _make_planes(sb, ss, npad):
    cols = jnp.concatenate([sb, ss[:, None]], axis=1)
    cols = jnp.pad(cols, ((0, npad - cols.shape[0]), (0, 0)))
    return cols.T.reshape(5, npad // _LANES, _LANES)


def kernel(boxes, scores):
    ss, order = lax.top_k(scores, _K)
    sb = jnp.take(boxes, order, axis=0)
    rows = jnp.concatenate([sb, ss[:, None]], axis=1)
    out_fast, flag = _run_nms_chunked(rows)

    def full_path(_):
        order_f = jnp.argsort(-scores)
        sb_f = jnp.take(boxes, order_f, axis=0)
        ss_f = jnp.take(scores, order_f, axis=0)
        out_full, _unused = _run_nms(_make_planes(sb_f, ss_f, _PAD), _N)
        return out_full

    return lax.cond(flag[0, 0] > 0, full_path, lambda _: out_fast, None)

# --- scband reference (transcript-rebuilt; emitter-appended) ---
"""Pipeline reference for scband-center-net-83648783057615 (READ-ONLY COPY).

The authoritative reference and input builder live on the scoring server;
editing this copy changes nothing except your own understanding.
"""

import jax, jax.numpy as jnp
import numpy as np

N = 20000
POST_MAX_SIZE = 500
IOU_THRESHOLD = 0.5


def setup_inputs(seed: int = 0) -> dict:
    key = jax.random.key(seed)
    k1, k2, k3 = jax.random.split(key, 3)
    u = jax.random.uniform(k1, (N, 4), dtype=jnp.float32)
    wh = jax.random.uniform(k2, (N, 2), dtype=jnp.float32)
    x1 = u[:, 0] * 1000.0
    y1 = u[:, 1] * 1000.0
    x2 = x1 + wh[:, 0] * 100.0 + 1.0
    y2 = y1 + wh[:, 1] * 100.0 + 1.0
    boxes = jnp.stack([x1, y1, x2, y2], axis=1)
    scores = jax.random.uniform(k3, (N,), dtype=jnp.float32)
    return {"boxes": boxes, "scores": scores}


def _iou_one_vs_all(box, boxes):
    xx1 = jnp.maximum(box[0], boxes[:, 0])
    yy1 = jnp.maximum(box[1], boxes[:, 1])
    xx2 = jnp.minimum(box[2], boxes[:, 2])
    yy2 = jnp.minimum(box[3], boxes[:, 3])
    w = jnp.maximum(xx2 - xx1, 0.0)
    h = jnp.maximum(yy2 - yy1, 0.0)
    inter = w * h
    area_a = (box[2] - box[0]) * (box[3] - box[1])
    area_b = (boxes[:, 2] - boxes[:, 0]) * (boxes[:, 3] - boxes[:, 1])
    return inter / (area_a + area_b - inter + 1e-6)


def _nms_keep(sorted_boxes, n, max_out, iou_threshold):
    # index computation is non-differentiable; treat boxes as constants here
    sorted_boxes = jax.lax.stop_gradient(sorted_boxes)
    suppressed0 = jnp.zeros((n,), dtype=bool)
    keep0 = jnp.full((max_out,), -1, dtype=jnp.int32)

    def body(i, state):
        suppressed, keep = state
        avail = jnp.logical_not(suppressed)
        idx = jnp.argmax(avail)  # first unsuppressed = highest remaining score
        valid = avail[idx]
        keep = keep.at[i].set(jnp.where(valid, idx.astype(jnp.int32), jnp.int32(-1)))
        ious = _iou_one_vs_all(sorted_boxes[idx], sorted_boxes)
        suppressed = jnp.logical_or(suppressed, jnp.logical_and(valid, ious >= iou_threshold))
        suppressed = suppressed.at[idx].set(True)
        return (suppressed, keep)

    _, keep = jax.lax.fori_loop(0, max_out, body, (suppressed0, keep0))
    return keep


def reference(boxes, scores):
    order = jnp.argsort(-scores)
    sorted_boxes = jnp.take(boxes, order, axis=0)
    sorted_scores = jnp.take(scores, order, axis=0)
    keep = _nms_keep(sorted_boxes, boxes.shape[0], POST_MAX_SIZE, IOU_THRESHOLD)
    valid = (keep >= 0).astype(jnp.float32)
    safe = jnp.maximum(keep, 0)
    sel_boxes = jnp.take(sorted_boxes, safe, axis=0)
    sel_scores = jnp.take(sorted_scores, safe, axis=0)
    out = jnp.concatenate([sel_boxes, sel_scores[:, None]], axis=1) * valid[:, None]
    return out

if __name__ == "__main__":
    import jax
    _d = setup_inputs()
    print(jax.jit(kernel)(*tuple(_d.values())))

</pallas_src>

<mosaic_0001>
module attributes {stable_mosaic.version = 14 : i64} {
  func.func @_nms_chunked_body(%arg0: memref<640x5xf32, #tpu.memory_space<vmem>>, %arg1: memref<500x5xf32, #tpu.memory_space<vmem>>, %arg2: memref<1x1xi32, #tpu.memory_space<vmem>>, %arg3: memref<640x128xf32, #tpu.memory_space<vmem>>, %arg4: memref<640x128xf32, #tpu.memory_space<vmem>>, %arg5: memref<640x128xf32, #tpu.memory_space<vmem>>, %arg6: memref<640x128xf32, #tpu.memory_space<vmem>>, %arg7: memref<640x128xf32, #tpu.memory_space<vmem>>, %arg8: memref<640x8xf32, #tpu.memory_space<vmem>>, %arg9: memref<1x128xi32, #tpu.memory_space<vmem>>) attributes {dimension_semantics = [], scalar_prefetch = 0 : i64, scratch_operands = 7 : i64, tpu.core_type = #tpu.core_type<tc>} {
    %broadcast_in_dim3A = arith.constant 0.000000e+00 : f32
    %broadcast_in_dim3A_0 = vector.broadcast %broadcast_in_dim3A : f32 to vector<500x5xf32>
    %swap3A = arith.constant 0 : index
    %swap3A_1 = arith.constant 0 : index
    %swap3A_2 = vector.load %arg1[%swap3A, %swap3A_1] : memref<500x5xf32, #tpu.memory_space<vmem>>, vector<500x5xf32>
    tpu.vector_store %arg1[%swap3A, %swap3A_1], %broadcast_in_dim3A_0 {strides = array<i32>} : memref<500x5xf32, #tpu.memory_space<vmem>>, vector<500x5xf32>,
    %broadcast_in_dim3A_3 = arith.constant -1.000000e+09 : f32
    %broadcast_in_dim3A_4 = vector.broadcast %broadcast_in_dim3A_3 : f32 to vector<640x128xf32>
    %swap3A_5 = arith.constant 0 : index
    %swap3A_6 = arith.constant 0 : index
    %swap3A_7 = vector.load %arg3[%swap3A_5, %swap3A_6] : memref<640x128xf32, #tpu.memory_space<vmem>>, vector<640x128xf32>
    tpu.vector_store %arg3[%swap3A_5, %swap3A_6], %broadcast_in_dim3A_4 {strides = array<i32>} : memref<640x128xf32, #tpu.memory_space<vmem>>, vector<640x128xf32>,
    %broadcast_in_dim3A_8 = arith.constant -1.000000e+09 : f32
    %broadcast_in_dim3A_9 = vector.broadcast %broadcast_in_dim3A_8 : f32 to vector<640x128xf32>
    %swap3A_10 = arith.constant 0 : index
    %swap3A_11 = arith.constant 0 : index
    %swap3A_12 = vector.load %arg4[%swap3A_10, %swap3A_11] : memref<640x128xf32, #tpu.memory_space<vmem>>, vector<640x128xf32>
    tpu.vector_store %arg4[%swap3A_10, %swap3A_11], %broadcast_in_dim3A_9 {strides = array<i32>} : memref<640x128xf32, #tpu.memory_space<vmem>>, vector<640x128xf32>,
    %broadcast_in_dim3A_13 = arith.constant -1.000000e+09 : f32
    %broadcast_in_dim3A_14 = vector.broadcast %broadcast_in_dim3A_13 : f32 to vector<640x128xf32>
    %swap3A_15 = arith.constant 0 : index
    %swap3A_16 = arith.constant 0 : index
    %swap3A_17 = vector.load %arg5[%swap3A_15, %swap3A_16] : memref<640x128xf32, #tpu.memory_space<vmem>>, vector<640x128xf32>
    tpu.vector_store %arg5[%swap3A_15, %swap3A_16], %broadcast_in_dim3A_14 {strides = array<i32>} : memref<640x128xf32, #tpu.memory_space<vmem>>, vector<640x128xf32>,
    %broadcast_in_dim3A_18 = arith.constant -1.000000e+09 : f32
    %broadcast_in_dim3A_19 = vector.broadcast %broadcast_in_dim3A_18 : f32 to vector<640x128xf32>
    %swap3A_20 = arith.constant 0 : index
    %swap3A_21 = arith.constant 0 : index
    %swap3A_22 = vector.load %arg6[%swap3A_20, %swap3A_21] : memref<640x128xf32, #tpu.memory_space<vmem>>, vector<640x128xf32>
    tpu.vector_store %arg6[%swap3A_20, %swap3A_21], %broadcast_in_dim3A_19 {strides = array<i32>} : memref<640x128xf32, #tpu.memory_space<vmem>>, vector<640x128xf32>,
    %broadcast_in_dim3A_23 = arith.constant 0.000000e+00 : f32
    %broadcast_in_dim3A_24 = vector.broadcast %broadcast_in_dim3A_23 : f32 to vector<640x128xf32>
    %swap3A_25 = arith.constant 0 : index
    %swap3A_26 = arith.constant 0 : index
    %swap3A_27 = vector.load %arg7[%swap3A_25, %swap3A_26] : memref<640x128xf32, #tpu.memory_space<vmem>>, vector<640x128xf32>
    tpu.vector_store %arg7[%swap3A_25, %swap3A_26], %broadcast_in_dim3A_24 {strides = array<i32>} : memref<640x128xf32, #tpu.memory_space<vmem>>, vector<640x128xf32>,
    %broadcast_in_dim3A_28 = arith.constant 0.000000e+00 : f32
    %broadcast_in_dim3A_29 = vector.broadcast %broadcast_in_dim3A_28 : f32 to vector<640x8xf32>
    %swap3A_30 = arith.constant 0 : index
    %swap3A_31 = arith.constant 0 : index
    %swap3A_32 = vector.load %arg8[%swap3A_30, %swap3A_31] : memref<640x8xf32, #tpu.memory_space<vmem>>, vector<640x8xf32>
    tpu.vector_store %arg8[%swap3A_30, %swap3A_31], %broadcast_in_dim3A_29 {strides = array<i32>} : memref<640x8xf32, #tpu.memory_space<vmem>>, vector<640x8xf32>,
    %iota3A = tpu.iota {dimensions = array<i32: 0>} : vector<128x128xi32>
    %iota3A_33 = tpu.iota {dimensions = array<i32: 1>} : vector<128x128xi32>
    %lt3A = arith.cmpi slt, %iota3A, %iota3A_33 : vector<128x128xi32>
    %convert_element_type3A = arith.extui %lt3A : vector<128x128xi1> to vector<128x128xi32>
    %convert_element_type3A_34 = arith.sitofp %convert_element_type3A : vector<128x128xi32> to vector<128x128xf32>
    %lt3A_35 = arith.constant 0 : i32
    %lt3A_36 = arith.constant 500 : i32
    %lt3A_37 = arith.cmpi slt, %lt3A_35, %lt3A_36 : i32
    %get3A = arith.constant 0 : index
    %get3A_38 = arith.constant 0 : index
    %get3A_39 = vector.load %arg0[%get3A, %get3A_38] : memref<640x5xf32, #tpu.memory_space<vmem>>, vector<128x1xf32>
    %get3A_40 = arith.constant 0 : index
    %get3A_41 = arith.constant 1 : index
    %get3A_42 = vector.load %arg0[%get3A_40, %get3A_41] : memref<640x5xf32, #tpu.memory_space<vmem>>, vector<128x1xf32>
    %get3A_43 = arith.constant 0 : index
    %get3A_44 = arith.constant 2 : index
    %get3A_45 = vector.load %arg0[%get3A_43, %get3A_44] : memref<640x5xf32, #tpu.memory_space<vmem>>, vector<128x1xf32>
    %get3A_46 = arith.constant 0 : index
    %get3A_47 = arith.constant 3 : index
    %get3A_48 = vector.load %arg0[%get3A_46, %get3A_47] : memref<640x5xf32, #tpu.memory_space<vmem>>, vector<128x1xf32>
    %get3A_49 = arith.constant 0 : index
    %get3A_50 = arith.constant 4 : index
    %get3A_51 = vector.load %arg0[%get3A_49, %get3A_50] : memref<640x5xf32, #tpu.memory_space<vmem>>, vector<128x1xf32>
    %sub3A = arith.subf %get3A_45, %get3A_39 : vector<128x1xf32>
    %sub3A_52 = arith.subf %get3A_48, %get3A_42 : vector<128x1xf32>
    %mul3A = arith.mulf %sub3A, %sub3A_52 : vector<128x1xf32>
    %eq3A = arith.cmpi eq, %iota3A, %iota3A_33 : vector<128x128xi32>
    %jit3A = arith.constant 0.000000e+00 : f32
    %broadcast_in_dim3A_53 = vector.shape_cast %get3A_39 : vector<128x1xf32> to vector<128x1xf32>
    %broadcast_in_dim3A_54 = vector.broadcast %broadcast_in_dim3A_53 : vector<128x1xf32> to vector<128x128xf32>
    %broadcast_in_dim3A_55 = vector.broadcast %jit3A : f32 to vector<128x128xf32>
    %select_n3A = arith.select %eq3A, %broadcast_in_dim3A_54, %broadcast_in_dim3A_55 : vector<128x128xi1>, vector<128x128xf32>
    %reduce_sum3A = arith.constant dense<0.000000e+00> : vector<128xf32>
    %reduce_sum3A_56 = vector.multi_reduction <add>, %select_n3A, %reduce_sum3A [0] : vector<128x128xf32> to vector<128xf32>
    %broadcast_in_dim3A_57 = vector.shape_cast %reduce_sum3A_56 : vector<128xf32> to vector<1x128xf32>
    %eq3A_58 = arith.cmpi eq, %iota3A, %iota3A_33 : vector<128x128xi32>
    %jit3A_59 = arith.constant 0.000000e+00 : f32
    %broadcast_in_dim3A_60 = vector.shape_cast %get3A_42 : vector<128x1xf32> to vector<128x1xf32>
    %broadcast_in_dim3A_61 = vector.broadcast %broadcast_in_dim3A_60 : vector<128x1xf32> to vector<128x128xf32>
    %broadcast_in_dim3A_62 = vector.broadcast %jit3A_59 : f32 to vector<128x128xf32>
    %select_n3A_63 = arith.select %eq3A_58, %broadcast_in_dim3A_61, %broadcast_in_dim3A_62 : vector<128x128xi1>, vector<128x128xf32>
    %reduce_sum3A_64 = arith.constant dense<0.000000e+00> : vector<128xf32>
    %reduce_sum3A_65 = vector.multi_reduction <add>, %select_n3A_63, %reduce_sum3A_64 [0] : vector<128x128xf32> to vector<128xf32>
    %broadcast_in_dim3A_66 = vector.shape_cast %reduce_sum3A_65 : vector<128xf32> to vector<1x128xf32>
    %eq3A_67 = arith.cmpi eq, %iota3A, %iota3A_33 : vector<128x128xi32>
    %jit3A_68 = arith.constant 0.000000e+00 : f32
    %broadcast_in_dim3A_69 = vector.shape_cast %get3A_45 : vector<128x1xf32> to vector<128x1xf32>
    %broadcast_in_dim3A_70 = vector.broadcast %broadcast_in_dim3A_69 : vector<128x1xf32> to vector<128x128xf32>
    %broadcast_in_dim3A_71 = vector.broadcast %jit3A_68 : f32 to vector<128x128xf32>
    %select_n3A_72 = arith.select %eq3A_67, %broadcast_in_dim3A_70, %broadcast_in_dim3A_71 : vector<128x128xi1>, vector<128x128xf32>
    %reduce_sum3A_73 = arith.constant dense<0.000000e+00> : vector<128xf32>
    %reduce_sum3A_74 = vector.multi_reduction <add>, %select_n3A_72, %reduce_sum3A_73 [0] : vector<128x128xf32> to vector<128xf32>
    %broadcast_in_dim3A_75 = vector.shape_cast %reduce_sum3A_74 : vector<128xf32> to vector<1x128xf32>
    %eq3A_76 = arith.cmpi eq, %iota3A, %iota3A_33 : vector<128x128xi32>
    %jit3A_77 = arith.constant 0.000000e+00 : f32
    %broadcast_in_dim3A_78 = vector.shape_cast %get3A_48 : vector<128x1xf32> to vector<128x1xf32>
    %broadcast_in_dim3A_79 = vector.broadcast %broadcast_in_dim3A_78 : vector<128x1xf32> to vector<128x128xf32>
    %broadcast_in_dim3A_80 = vector.broadcast %jit3A_77 : f32 to vector<128x128xf32>
    %select_n3A_81 = arith.select %eq3A_76, %broadcast_in_dim3A_79, %broadcast_in_dim3A_80 : vector<128x128xi1>, vector<128x128xf32>
    %reduce_sum3A_82 = arith.constant dense<0.000000e+00> : vector<128xf32>
    %reduce_sum3A_83 = vector.multi_reduction <add>, %select_n3A_81, %reduce_sum3A_82 [0] : vector<128x128xf32> to vector<128xf32>
    %broadcast_in_dim3A_84 = vector.shape_cast %reduce_sum3A_83 : vector<128xf32> to vector<1x128xf32>
    %eq3A_85 = arith.cmpi eq, %iota3A, %iota3A_33 : vector<128x128xi32>
    %jit3A_86 = arith.constant 0.000000e+00 : f32
    %broadcast_in_dim3A_87 = vector.shape_cast %mul3A : vector<128x1xf32> to vector<128x1xf32>
    %broadcast_in_dim3A_88 = vector.broadcast %broadcast_in_dim3A_87 : vector<128x1xf32> to vector<128x128xf32>
    %broadcast_in_dim3A_89 = vector.broadcast %jit3A_86 : f32 to vector<128x128xf32>
    %select_n3A_90 = arith.select %eq3A_85, %broadcast_in_dim3A_88, %broadcast_in_dim3A_89 : vector<128x128xi1>, vector<128x128xf32>
    %reduce_sum3A_91 = arith.constant dense<0.000000e+00> : vector<128xf32>
    %reduce_sum3A_92 = vector.multi_reduction <add>, %select_n3A_90, %reduce_sum3A_91 [0] : vector<128x128xf32> to vector<128xf32>
    %broadcast_in_dim3A_93 = vector.shape_cast %reduce_sum3A_92 : vector<128xf32> to vector<1x128xf32>
    %broadcast_in_dim3A_94 = arith.constant true
    %broadcast_in_dim3A_95 = vector.broadcast %broadcast_in_dim3A_94 : i1 to vector<1x128xi1>
    %max3A = vector.broadcast %get3A_39 : vector<128x1xf32> to vector<128x128xf32>
    %max3A_96 = vector.broadcast %broadcast_in_dim3A_57 : vector<1x128xf32> to vector<128x128xf32>
    %max3A_97 = arith.maximumf %max3A, %max3A_96 : vector<128x128xf32>
    %max3A_98 = vector.broadcast %get3A_42 : vector<128x1xf32> to vector<128x128xf32>
    %max3A_99 = vector.broadcast %broadcast_in_dim3A_66 : vector<1x128xf32> to vector<128x128xf32>
    %max3A_100 = arith.maximumf %max3A_98, %max3A_99 : vector<128x128xf32>
    %min3A = vector.broadcast %get3A_45 : vector<128x1xf32> to vector<128x128xf32>
    %min3A_101 = vector.broadcast %broadcast_in_dim3A_75 : vector<1x128xf32> to vector<128x128xf32>
    %min3A_102 = arith.minimumf %min3A, %min3A_101 : vector<128x128xf32>
    %min3A_103 = vector.broadcast %get3A_48 : vector<128x1xf32> to vector<128x128xf32>
    %min3A_104 = vector.broadcast %broadcast_in_dim3A_84 : vector<1x128xf32> to vector<128x128xf32>
    %min3A_105 = arith.minimumf %min3A_103, %min3A_104 : vector<128x128xf32>
    %sub3A_106 = arith.subf %min3A_102, %max3A_97 : vector<128x128xf32>
    %max3A_107 = arith.constant 0.000000e+00 : f32
    %max3A_108 = vector.broadcast %max3A_107 : f32 to vector<128x128xf32>
    %max3A_109 = arith.maximumf %sub3A_106, %max3A_108 : vector<128x128xf32>
    %sub3A_110 = arith.subf %min3A_105, %max3A_100 : vector<128x128xf32>
    %max3A_111 = arith.constant 0.000000e+00 : f32
    %max3A_112 = vector.broadcast %max3A_111 : f32 to vector<128x128xf32>
    %max3A_113 = arith.maximumf %sub3A_110, %max3A_112 : vector<128x128xf32>
    %mul3A_114 = arith.mulf %max3A_109, %max3A_113 : vector<128x128xf32>
    %add3A = vector.broadcast %mul3A : vector<128x1xf32> to vector<128x128xf32>
    %add3A_115 = vector.broadcast %broadcast_in_dim3A_93 : vector<1x128xf32> to vector<128x128xf32>
    %add3A_116 = arith.addf %add3A, %add3A_115 : vector<128x128xf32>
    %sub3A_117 = arith.subf %add3A_116, %mul3A_114 : vector<128x128xf32>
    %add3A_118 = arith.constant 9.99999997E-7 : f32
    %add3A_119 = vector.broadcast %add3A_118 : f32 to vector<128x128xf32>
    %add3A_120 = arith.addf %sub3A_117, %add3A_119 : vector<128x128xf32>
    %div3A = arith.divf %mul3A_114, %add3A_120 : vector<128x128xf32>
    %ge3A = arith.constant 5.000000e-01 : f32
    %ge3A_121 = vector.broadcast %ge3A : f32 to vector<128x128xf32>
    %ge3A_122 = arith.cmpf oge, %div3A, %ge3A_121 : vector<128x128xf32>
    %lt3A_123 = arith.cmpi slt, %iota3A, %iota3A_33 : vector<128x128xi32>
    %and3A = arith.andi %ge3A_122, %lt3A_123 : vector<128x128xi1>
    %convert_element_type3A_124 = arith.extui %broadcast_in_dim3A_95 : vector<1x128xi1> to vector<1x128xi32>
    %swap3A_125 = arith.constant 0 : index
    %swap3A_126 = arith.constant 0 : index
    %swap3A_127 = vector.load %arg9[%swap3A_125, %swap3A_126] : memref<1x128xi32, #tpu.memory_space<vmem>>, vector<1x128xi32>
    tpu.vector_store %arg9[%swap3A_125, %swap3A_126], %convert_element_type3A_124 {strides = array<i32>} : memref<1x128xi32, #tpu.memory_space<vmem>>, vector<1x128xi32>,
    %while3A = arith.constant true
    %while3A_128 = scf.while (%while3A_1013 = %while3A) : (i1) -> i1 {
      scf.condition(%while3A_1013) %while3A_1013 : i1
    } do {
    ^bb0(%while3A_1013: i1):
      %get3A_1014 = arith.constant 0 : index
      %get3A_1015 = arith.constant 0 : index
      %get3A_1016 = vector.load %arg9[%get3A_1014, %get3A_1015] : memref<1x128xi32, #tpu.memory_space<vmem>>, vector<1x128xi32>
      %ne3A_1017 = arith.constant 0 : i32
      %ne3A_1018 = vector.broadcast %ne3A_1017 : i32 to vector<1x128xi32>
      %ne3A_1019 = arith.cmpi ne, %get3A_1016, %ne3A_1018 : vector<1x128xi32>
      %eq3A_1020 = arith.cmpi eq, %iota3A_33, %iota3A : vector<128x128xi32>
      %and3A_1021 = vector.broadcast %ne3A_1019 : vector<1x128xi1> to vector<128x128xi1>
      %and3A_1022 = arith.andi %eq3A_1020, %and3A_1021 : vector<128x128xi1>
      %reduce_or3A_1023 = arith.constant 1.000000e+00 : f32
      %reduce_or3A_1024 = arith.constant 0.000000e+00 : f32
      %reduce_or3A_1025 = vector.broadcast %reduce_or3A_1023 : f32 to vector<128x128xf32>
      %reduce_or3A_1026 = vector.broadcast %reduce_or3A_1024 : f32 to vector<128x128xf32>
      %reduce_or3A_1027 = arith.select %and3A_1022, %reduce_or3A_1025, %reduce_or3A_1026 : vector<128x128xi1>, vector<128x128xf32>
      %reduce_or3A_1028 = arith.constant dense<0xFF800000> : vector<128xf32>
      %reduce_or3A_1029 = vector.multi_reduction <maximumf>, %reduce_or3A_1027, %reduce_or3A_1028 [1] : vector<128x128xf32> to vector<128xf32>
      %reduce_or3A_1030 = arith.constant 0.000000e+00 : f32
      %reduce_or3A_1031 = vector.broadcast %reduce_or3A_1030 : f32 to vector<128xf32>
      %reduce_or3A_1032 = arith.cmpf ogt, %reduce_or3A_1029, %reduce_or3A_1031 : vector<128xf32>
      %broadcast_in_dim3A_1033 = vector.shape_cast %reduce_or3A_1032 : vector<128xi1> to vector<128x1xi1>
      %and3A_1034 = vector.broadcast %broadcast_in_dim3A_1033 : vector<128x1xi1> to vector<128x128xi1>
      %and3A_1035 = arith.andi %and3A, %and3A_1034 : vector<128x128xi1>
      %reduce_or3A_1036 = arith.constant 1.000000e+00 : f32
      %reduce_or3A_1037 = arith.constant 0.000000e+00 : f32
      %reduce_or3A_1038 = vector.broadcast %reduce_or3A_1036 : f32 to vector<128x128xf32>
      %reduce_or3A_1039 = vector.broadcast %reduce_or3A_1037 : f32 to vector<128x128xf32>
      %reduce_or3A_1040 = arith.select %and3A_1035, %reduce_or3A_1038, %reduce_or3A_1039 : vector<128x128xi1>, vector<128x128xf32>
      %reduce_or3A_1041 = arith.constant dense<0xFF800000> : vector<128xf32>
      %reduce_or3A_1042 = vector.multi_reduction <maximumf>, %reduce_or3A_1040, %reduce_or3A_1041 [0] : vector<128x128xf32> to vector<128xf32>
      %reduce_or3A_1043 = arith.constant 0.000000e+00 : f32
      %reduce_or3A_1044 = vector.broadcast %reduce_or3A_1043 : f32 to vector<128xf32>
      %reduce_or3A_1045 = arith.cmpf ogt, %reduce_or3A_1042, %reduce_or3A_1044 : vector<128xf32>
      %broadcast_in_dim3A_1046 = vector.shape_cast %reduce_or3A_1045 : vector<128xi1> to vector<1x128xi1>
      %not3A_1047 = arith.constant dense<true> : vector<1x128xi1>
      %not3A_1048 = arith.xori %broadcast_in_dim3A_1046, %not3A_1047 : vector<1x128xi1>
      %and3A_1049 = arith.andi %broadcast_in_dim3A_95, %not3A_1048 : vector<1x128xi1>
      %convert_element_type3A_1050 = arith.extui %and3A_1049 : vector<1x128xi1> to vector<1x128xi32>
      %swap3A_1051 = arith.constant 0 : index
      %swap3A_1052 = arith.constant 0 : index
      %swap3A_1053 = vector.load %arg9[%swap3A_1051, %swap3A_1052] : memref<1x128xi32, #tpu.memory_space<vmem>>, vector<1x128xi32>
      tpu.vector_store %arg9[%swap3A_1051, %swap3A_1052], %convert_element_type3A_1050 {strides = array<i32>} : memref<1x128xi32, #tpu.memory_space<vmem>>, vector<1x128xi32>,
      %ne3A_1054 = arith.xori %and3A_1049, %ne3A_1019 : vector<1x128xi1>
      %reduce_or3A_1055 = arith.constant 1.000000e+00 : f32
      %reduce_or3A_1056 = arith.constant 0.000000e+00 : f32
      %reduce_or3A_1057 = vector.broadcast %reduce_or3A_1055 : f32 to vector<1x128xf32>
      %reduce_or3A_1058 = vector.broadcast %reduce_or3A_1056 : f32 to vector<1x128xf32>
      %reduce_or3A_1059 = arith.select %ne3A_1054, %reduce_or3A_1057, %reduce_or3A_1058 : vector<1x128xi1>, vector<1x128xf32>
      %reduce_or3A_1060 = vector.shape_cast %reduce_or3A_1059 : vector<1x128xf32> to vector<1x1x128xf32>
      %reduce_or3A_1061 = arith.constant dense<0xFF800000> : vector<1xf32>
      %reduce_or3A_1062 = vector.multi_reduction <maximumf>, %reduce_or3A_1060, %reduce_or3A_1061 [1, 2] : vector<1x1x128xf32> to vector<1xf32>
      %reduce_or3A_1063 = vector.shape_cast %reduce_or3A_1062 : vector<1xf32> to vector<1x1x1xf32>
      %reduce_or3A_1064 = vector.extract %reduce_or3A_1063[0, 0, 0] : f32 from vector<1x1x1xf32>
      %reduce_or3A_1065 = arith.constant 0.000000e+00 : f32
      %reduce_or3A_1066 = arith.cmpf ogt, %reduce_or3A_1064, %reduce_or3A_1065 : f32
      scf.yield %reduce_or3A_1066 : i1
    }
    %get3A_129 = arith.constant 0 : index
    %get3A_130 = arith.constant 0 : index
    %get3A_131 = vector.load %arg9[%get3A_129, %get3A_130] : memref<1x128xi32, #tpu.memory_space<vmem>>, vector<1x128xi32>
    %ne3A = arith.constant 0 : i32
    %ne3A_132 = vector.broadcast %ne3A : i32 to vector<1x128xi32>
    %ne3A_133 = arith.cmpi ne, %get3A_131, %ne3A_132 : vector<1x128xi32>
    %convert_element_type3A_134 = arith.extui %ne3A_133 : vector<1x128xi1> to vector<1x128xi32>
    %convert_element_type3A_135 = arith.sitofp %convert_element_type3A_134 : vector<1x128xi32> to vector<1x128xf32>
    %eq3A_136 = arith.cmpi eq, %iota3A_33, %iota3A : vector<128x128xi32>
    %and3A_137 = vector.broadcast %ne3A_133 : vector<1x128xi1> to vector<128x128xi1>
    %and3A_138 = arith.andi %eq3A_136, %and3A_137 : vector<128x128xi1>
    %reduce_or3A = arith.constant 1.000000e+00 : f32
    %reduce_or3A_139 = arith.constant 0.000000e+00 : f32
    %reduce_or3A_140 = vector.broadcast %reduce_or3A : f32 to vector<128x128xf32>
    %reduce_or3A_141 = vector.broadcast %reduce_or3A_139 : f32 to vector<128x128xf32>
    %reduce_or3A_142 = arith.select %and3A_138, %reduce_or3A_140, %reduce_or3A_141 : vector<128x128xi1>, vector<128x128xf32>
    %reduce_or3A_143 = arith.constant dense<0xFF800000> : vector<128xf32>
    %reduce_or3A_144 = vector.multi_reduction <maximumf>, %reduce_or3A_142, %reduce_or3A_143 [1] : vector<128x128xf32> to vector<128xf32>
    %reduce_or3A_145 = arith.constant 0.000000e+00 : f32
    %reduce_or3A_146 = vector.broadcast %reduce_or3A_145 : f32 to vector<128xf32>
    %reduce_or3A_147 = arith.cmpf ogt, %reduce_or3A_144, %reduce_or3A_146 : vector<128xf32>
    %broadcast_in_dim3A_148 = vector.shape_cast %reduce_or3A_147 : vector<128xi1> to vector<128x1xi1>
    %dot_general3A = arith.constant dense<0.000000e+00> : vector<1x128xf32>
    %dot_general3A_149 = tpu.matmul %convert_element_type3A_135, %convert_element_type3A_34, %dot_general3A {dimension_numbers = #tpu.dot_dimension_numbers<[1], [0], [0], [1], [0, 0, 1, 1], [], []>, transpose_lhs_hint = false} : vector<1x128xf32>, vector<128x128xf32>, vector<1x128xf32> -> vector<1x128xf32>
    %convert_element_type3A_150 = arith.fptosi %dot_general3A_149 : vector<1x128xf32> to vector<1x128xi32>
    %eq3A_151 = vector.broadcast %convert_element_type3A_150 : vector<1x128xi32> to vector<128x128xi32>
    %eq3A_152 = arith.cmpi eq, %iota3A, %eq3A_151 : vector<128x128xi32>
    %and3A_153 = vector.broadcast %ne3A_133 : vector<1x128xi1> to vector<128x128xi1>
    %and3A_154 = arith.andi %eq3A_152, %and3A_153 : vector<128x128xi1>
    %convert_element_type3A_155 = arith.extui %and3A_154 : vector<128x128xi1> to vector<128x128xi32>
    %convert_element_type3A_156 = arith.sitofp %convert_element_type3A_155 : vector<128x128xi32> to vector<128x128xf32>
    %broadcast_in_dim3A_157 = arith.constant 0.000000e+00 : f32
    %broadcast_in_dim3A_158 = vector.broadcast %broadcast_in_dim3A_157 : f32 to vector<128x3xf32>
    %concatenate3A = tpu.concatenate %get3A_39, %get3A_42, %get3A_45, %get3A_48, %get3A_51, %broadcast_in_dim3A_158 in 1 : vector<128x1xf32>, vector<128x1xf32>, vector<128x1xf32>, vector<128x1xf32>, vector<128x1xf32>, vector<128x3xf32> -> vector<128x8xf32>
    %dot_general3A_159 = arith.constant dense<0.000000e+00> : vector<128x8xf32>
    %dot_general3A_160 = tpu.matmul %convert_element_type3A_156, %concatenate3A, %dot_general3A_159 {dimension_numbers = #tpu.dot_dimension_numbers<[1], [0], [0], [1], [0, 0, 1, 1], [], []>, precision = #tpu.contract_precision<fp32>, transpose_lhs_hint = false} : vector<128x128xf32>, vector<128x8xf32>, vector<128x8xf32> -> vector<128x8xf32>
    %convert_element_type3A_161 = arith.extui %lt3A_37 : i1 to i32
    %cond3A = arith.constant 0 : i32
    %cond3A_162 = arith.constant 0 : i32
    %cond3A_163 = arith.cmpi ne, %convert_element_type3A_161, %cond3A_162 : i32
    scf.if %cond3A_163 {
      %jit3A_1013 = arith.constant -1.000000e+09 : f32
      %broadcast_in_dim3A_1014 = vector.broadcast %jit3A_1013 : f32 to vector<128x1xf32>
      %select_n3A_1015 = arith.select %broadcast_in_dim3A_148, %get3A_39, %broadcast_in_dim3A_1014 : vector<128x1xi1>, vector<128x1xf32>
      %broadcast_in_dim3A_1016 = vector.shape_cast %select_n3A_1015 : vector<128x1xf32> to vector<128x1xf32>
      %broadcast_in_dim3A_1017 = vector.broadcast %broadcast_in_dim3A_1016 : vector<128x1xf32> to vector<128x128xf32>
      %swap3A_1018 = arith.constant 0 : index
      %swap3A_1019 = arith.constant 0 : index
      %swap3A_1020 = vector.load %arg3[%swap3A_1018, %swap3A_1019] : memref<640x128xf32, #tpu.memory_space<vmem>>, vector<128x128xf32>
      tpu.vector_store %arg3[%swap3A_1018, %swap3A_1019], %broadcast_in_dim3A_1017 {strides = array<i32>} : memref<640x128xf32, #tpu.memory_space<vmem>>, vector<128x128xf32>,
      %jit3A_1021 = arith.constant -1.000000e+09 : f32
      %broadcast_in_dim3A_1022 = vector.broadcast %jit3A_1021 : f32 to vector<128x1xf32>
      %select_n3A_1023 = arith.select %broadcast_in_dim3A_148, %get3A_42, %broadcast_in_dim3A_1022 : vector<128x1xi1>, vector<128x1xf32>
      %broadcast_in_dim3A_1024 = vector.shape_cast %select_n3A_1023 : vector<128x1xf32> to vector<128x1xf32>
      %broadcast_in_dim3A_1025 = vector.broadcast %broadcast_in_dim3A_1024 : vector<128x1xf32> to vector<128x128xf32>
      %swap3A_1026 = arith.constant 0 : index
      %swap3A_1027 = arith.constant 0 : index
      %swap3A_1028 = vector.load %arg4[%swap3A_1026, %swap3A_1027] : memref<640x128xf32, #tpu.memory_space<vmem>>, vector<128x128xf32>
      tpu.vector_store %arg4[%swap3A_1026, %swap3A_1027], %broadcast_in_dim3A_1025 {strides = array<i32>} : memref<640x128xf32, #tpu.memory_space<vmem>>, vector<128x128xf32>,
      %jit3A_1029 = arith.constant -1.000000e+09 : f32
      %broadcast_in_dim3A_1030 = vector.broadcast %jit3A_1029 : f32 to vector<128x1xf32>
      %select_n3A_1031 = arith.select %broadcast_in_dim3A_148, %get3A_45, %broadcast_in_dim3A_1030 : vector<128x1xi1>, vector<128x1xf32>
      %broadcast_in_dim3A_1032 = vector.shape_cast %select_n3A_1031 : vector<128x1xf32> to vector<128x1xf32>
      %broadcast_in_dim3A_1033 = vector.broadcast %broadcast_in_dim3A_1032 : vector<128x1xf32> to vector<128x128xf32>
      %swap3A_1034 = arith.constant 0 : index
      %swap3A_1035 = arith.constant 0 : index
      %swap3A_1036 = vector.load %arg5[%swap3A_1034, %swap3A_1035] : memref<640x128xf32, #tpu.memory_space<vmem>>, vector<128x128xf32>
      tpu.vector_store %arg5[%swap3A_1034, %swap3A_1035], %broadcast_in_dim3A_1033 {strides = array<i32>} : memref<640x128xf32, #tpu.memory_space<vmem>>, vector<128x128xf32>,
      %jit3A_1037 = arith.constant -1.000000e+09 : f32
      %broadcast_in_dim3A_1038 = vector.broadcast %jit3A_1037 : f32 to vector<128x1xf32>
      %select_n3A_1039 = arith.select %broadcast_in_dim3A_148, %get3A_48, %broadcast_in_dim3A_1038 : vector<128x1xi1>, vector<128x1xf32>
      %broadcast_in_dim3A_1040 = vector.shape_cast %select_n3A_1039 : vector<128x1xf32> to vector<128x1xf32>
      %broadcast_in_dim3A_1041 = vector.broadcast %broadcast_in_dim3A_1040 : vector<128x1xf32> to vector<128x128xf32>
      %swap3A_1042 = arith.constant 0 : index
      %swap3A_1043 = arith.constant 0 : index
      %swap3A_1044 = vector.load %arg6[%swap3A_1042, %swap3A_1043] : memref<640x128xf32, #tpu.memory_space<vmem>>, vector<128x128xf32>
      tpu.vector_store %arg6[%swap3A_1042, %swap3A_1043], %broadcast_in_dim3A_1041 {strides = array<i32>} : memref<640x128xf32, #tpu.memory_space<vmem>>, vector<128x128xf32>,
      %jit3A_1045 = arith.constant 0.000000e+00 : f32
      %broadcast_in_dim3A_1046 = vector.broadcast %jit3A_1045 : f32 to vector<128x1xf32>
      %select_n3A_1047 = arith.select %broadcast_in_dim3A_148, %mul3A, %broadcast_in_dim3A_1046 : vector<128x1xi1>, vector<128x1xf32>
      %broadcast_in_dim3A_1048 = vector.shape_cast %select_n3A_1047 : vector<128x1xf32> to vector<128x1xf32>
      %broadcast_in_dim3A_1049 = vector.broadcast %broadcast_in_dim3A_1048 : vector<128x1xf32> to vector<128x128xf32>
      %swap3A_1050 = arith.constant 0 : index
      %swap3A_1051 = arith.constant 0 : index
      %swap3A_1052 = vector.load %arg7[%swap3A_1050, %swap3A_1051] : memref<640x128xf32, #tpu.memory_space<vmem>>, vector<128x128xf32>
      tpu.vector_store %arg7[%swap3A_1050, %swap3A_1051], %broadcast_in_dim3A_1049 {strides = array<i32>} : memref<640x128xf32, #tpu.memory_space<vmem>>, vector<128x128xf32>,
      %swap3A_1053 = arith.index_cast %cond3A : i32 to index
      %swap3A_1054 = arith.constant 0 : index
      %swap3A_1055 = vector.load %arg8[%swap3A_1053, %swap3A_1054] : memref<640x8xf32, #tpu.memory_space<vmem>>, vector<128x8xf32>
      tpu.vector_store %arg8[%swap3A_1053, %swap3A_1054], %dot_general3A_160 {strides = array<i32>} : memref<640x8xf32, #tpu.memory_space<vmem>>, vector<128x8xf32>,
    } else {
    }
    %reduce_sum3A_164 = vector.shape_cast %convert_element_type3A_135 : vector<1x128xf32> to vector<1x1x128xf32>
    %reduce_sum3A_165 = arith.constant dense<0.000000e+00> : vector<1xf32>
    %reduce_sum3A_166 = vector.multi_reduction <add>, %reduce_sum3A_164, %reduce_sum3A_165 [1, 2] : vector<1x1x128xf32> to vector<1xf32>
    %reduce_sum3A_167 = vector.shape_cast %reduce_sum3A_166 : vector<1xf32> to vector<1x1x1xf32>
    %reduce_sum3A_168 = vector.extract %reduce_sum3A_167[0, 0, 0] : f32 from vector<1x1x1xf32>
    %convert_element_type3A_169 = arith.fptosi %reduce_sum3A_168 : f32 to i32
    %add3A_170 = arith.constant 0 : i32
    %add3A_171 = arith.addi %add3A_170, %convert_element_type3A_169 : i32
    %jit3A_172 = arith.constant 0 : i32
    %select_n3A_173 = arith.select %lt3A_37, %add3A_171, %jit3A_172 : i32
    %lt3A_174 = arith.constant 500 : i32
    %lt3A_175 = arith.cmpi slt, %select_n3A_173, %lt3A_174 : i32
    %get3A_176 = arith.constant 128 : index
    %get3A_177 = arith.constant 0 : index
    %get3A_178 = vector.load %arg0[%get3A_176, %get3A_177] : memref<640x5xf32, #tpu.memory_space<vmem>>, vector<128x1xf32>
    %get3A_179 = arith.constant 128 : index
    %get3A_180 = arith.constant 1 : index
    %get3A_181 = vector.load %arg0[%get3A_179, %get3A_180] : memref<640x5xf32, #tpu.memory_space<vmem>>, vector<128x1xf32>
    %get3A_182 = arith.constant 128 : index
    %get3A_183 = arith.constant 2 : index
    %get3A_184 = vector.load %arg0[%get3A_182, %get3A_183] : memref<640x5xf32, #tpu.memory_space<vmem>>, vector<128x1xf32>
    %get3A_185 = arith.constant 128 : index
    %get3A_186 = arith.constant 3 : index
    %get3A_187 = vector.load %arg0[%get3A_185, %get3A_186] : memref<640x5xf32, #tpu.memory_space<vmem>>, vector<128x1xf32>
    %get3A_188 = arith.constant 128 : index
    %get3A_189 = arith.constant 4 : index
    %get3A_190 = vector.load %arg0[%get3A_188, %get3A_189] : memref<640x5xf32, #tpu.memory_space<vmem>>, vector<128x1xf32>
    %sub3A_191 = arith.subf %get3A_184, %get3A_178 : vector<128x1xf32>
    %sub3A_192 = arith.subf %get3A_187, %get3A_181 : vector<128x1xf32>
    %mul3A_193 = arith.mulf %sub3A_191, %sub3A_192 : vector<128x1xf32>
    %eq3A_194 = arith.cmpi eq, %iota3A, %iota3A_33 : vector<128x128xi32>
    %jit3A_195 = arith.constant 0.000000e+00 : f32
    %broadcast_in_dim3A_196 = vector.shape_cast %get3A_178 : vector<128x1xf32> to vector<128x1xf32>
    %broadcast_in_dim3A_197 = vector.broadcast %broadcast_in_dim3A_196 : vector<128x1xf32> to vector<128x128xf32>
    %broadcast_in_dim3A_198 = vector.broadcast %jit3A_195 : f32 to vector<128x128xf32>
    %select_n3A_199 = arith.select %eq3A_194, %broadcast_in_dim3A_197, %broadcast_in_dim3A_198 : vector<128x128xi1>, vector<128x128xf32>
    %reduce_sum3A_200 = arith.constant dense<0.000000e+00> : vector<128xf32>
    %reduce_sum3A_201 = vector.multi_reduction <add>, %select_n3A_199, %reduce_sum3A_200 [0] : vector<128x128xf32> to vector<128xf32>
    %broadcast_in_dim3A_202 = vector.shape_cast %reduce_sum3A_201 : vector<128xf32> to vector<1x128xf32>
    %eq3A_203 = arith.cmpi eq, %iota3A, %iota3A_33 : vector<128x128xi32>
    %jit3A_204 = arith.constant 0.000000e+00 : f32
    %broadcast_in_dim3A_205 = vector.shape_cast %get3A_181 : vector<128x1xf32> to vector<128x1xf32>
    %broadcast_in_dim3A_206 = vector.broadcast %broadcast_in_dim3A_205 : vector<128x1xf32> to vector<128x128xf32>
    %broadcast_in_dim3A_207 = vector.broadcast %jit3A_204 : f32 to vector<128x128xf32>
    %select_n3A_208 = arith.select %eq3A_203, %broadcast_in_dim3A_206, %broadcast_in_dim3A_207 : vector<128x128xi1>, vector<128x128xf32>
    %reduce_sum3A_209 = arith.constant dense<0.000000e+00> : vector<128xf32>
    %reduce_sum3A_210 = vector.multi_reduction <add>, %select_n3A_208, %reduce_sum3A_209 [0] : vector<128x128xf32> to vector<128xf32>
    %broadcast_in_dim3A_211 = vector.shape_cast %reduce_sum3A_210 : vector<128xf32> to vector<1x128xf32>
    %eq3A_212 = arith.cmpi eq, %iota3A, %iota3A_33 : vector<128x128xi32>
    %jit3A_213 = arith.constant 0.000000e+00 : f32
    %broadcast_in_dim3A_214 = vector.shape_cast %get3A_184 : vector<128x1xf32> to vector<128x1xf32>
    %broadcast_in_dim3A_215 = vector.broadcast %broadcast_in_dim3A_214 : vector<128x1xf32> to vector<128x128xf32>
    %broadcast_in_dim3A_216 = vector.broadcast %jit3A_213 : f32 to vector<128x128xf32>
    %select_n3A_217 = arith.select %eq3A_212, %broadcast_in_dim3A_215, %broadcast_in_dim3A_216 : vector<128x128xi1>, vector<128x128xf32>
    %reduce_sum3A_218 = arith.constant dense<0.000000e+00> : vector<128xf32>
    %reduce_sum3A_219 = vector.multi_reduction <add>, %select_n3A_217, %reduce_sum3A_218 [0] : vector<128x128xf32> to vector<128xf32>
    %broadcast_in_dim3A_220 = vector.shape_cast %reduce_sum3A_219 : vector<128xf32> to vector<1x128xf32>
    %eq3A_221 = arith.cmpi eq, %iota3A, %iota3A_33 : vector<128x128xi32>
    %jit3A_222 = arith.constant 0.000000e+00 : f32
    %broadcast_in_dim3A_223 = vector.shape_cast %get3A_187 : vector<128x1xf32> to vector<128x1xf32>
    %broadcast_in_dim3A_224 = vector.broadcast %broadcast_in_dim3A_223 : vector<128x1xf32> to vector<128x128xf32>
    %broadcast_in_dim3A_225 = vector.broadcast %jit3A_222 : f32 to vector<128x128xf32>
    %select_n3A_226 = arith.select %eq3A_221, %broadcast_in_dim3A_224, %broadcast_in_dim3A_225 : vector<128x128xi1>, vector<128x128xf32>
    %reduce_sum3A_227 = arith.constant dense<0.000000e+00> : vector<128xf32>
    %reduce_sum3A_228 = vector.multi_reduction <add>, %select_n3A_226, %reduce_sum3A_227 [0] : vector<128x128xf32> to vector<128xf32>
    %broadcast_in_dim3A_229 = vector.shape_cast %reduce_sum3A_228 : vector<128xf32> to vector<1x128xf32>
    %eq3A_230 = arith.cmpi eq, %iota3A, %iota3A_33 : vector<128x128xi32>
    %jit3A_231 = arith.constant 0.000000e+00 : f32
    %broadcast_in_dim3A_232 = vector.shape_cast %mul3A_193 : vector<128x1xf32> to vector<128x1xf32>
    %broadcast_in_dim3A_233 = vector.broadcast %broadcast_in_dim3A_232 : vector<128x1xf32> to vector<128x128xf32>
    %broadcast_in_dim3A_234 = vector.broadcast %jit3A_231 : f32 to vector<128x128xf32>
    %select_n3A_235 = arith.select %eq3A_230, %broadcast_in_dim3A_233, %broadcast_in_dim3A_234 : vector<128x128xi1>, vector<128x128xf32>
    %reduce_sum3A_236 = arith.constant dense<0.000000e+00> : vector<128xf32>
    %reduce_sum3A_237 = vector.multi_reduction <add>, %select_n3A_235, %reduce_sum3A_236 [0] : vector<128x128xf32> to vector<128xf32>
    %broadcast_in_dim3A_238 = vector.shape_cast %reduce_sum3A_237 : vector<128xf32> to vector<1x128xf32>
    %get3A_239 = arith.constant 0 : index
    %get3A_240 = arith.constant 0 : index
    %get3A_241 = vector.load %arg3[%get3A_239, %get3A_240] : memref<640x128xf32, #tpu.memory_space<vmem>>, vector<128x128xf32>
    %max3A_242 = vector.broadcast %broadcast_in_dim3A_202 : vector<1x128xf32> to vector<128x128xf32>
    %max3A_243 = arith.maximumf %get3A_241, %max3A_242 : vector<128x128xf32>
    %get3A_244 = arith.constant 0 : index
    %get3A_245 = arith.constant 0 : index
    %get3A_246 = vector.load %arg4[%get3A_244, %get3A_245] : memref<640x128xf32, #tpu.memory_space<vmem>>, vector<128x128xf32>
    %max3A_247 = vector.broadcast %broadcast_in_dim3A_211 : vector<1x128xf32> to vector<128x128xf32>
    %max3A_248 = arith.maximumf %get3A_246, %max3A_247 : vector<128x128xf32>
    %get3A_249 = arith.constant 0 : index
    %get3A_250 = arith.constant 0 : index
    %get3A_251 = vector.load %arg5[%get3A_249, %get3A_250] : memref<640x128xf32, #tpu.memory_space<vmem>>, vector<128x128xf32>
    %min3A_252 = vector.broadcast %broadcast_in_dim3A_220 : vector<1x128xf32> to vector<128x128xf32>
    %min3A_253 = arith.minimumf %get3A_251, %min3A_252 : vector<128x128xf32>
    %get3A_254 = arith.constant 0 : index
    %get3A_255 = arith.constant 0 : index
    %get3A_256 = vector.load %arg6[%get3A_254, %get3A_255] : memref<640x128xf32, #tpu.memory_space<vmem>>, vector<128x128xf32>
    %min3A_257 = vector.broadcast %broadcast_in_dim3A_229 : vector<1x128xf32> to vector<128x128xf32>
    %min3A_258 = arith.minimumf %get3A_256, %min3A_257 : vector<128x128xf32>
    %sub3A_259 = arith.subf %min3A_253, %max3A_243 : vector<128x128xf32>
    %max3A_260 = arith.constant 0.000000e+00 : f32
    %max3A_261 = vector.broadcast %max3A_260 : f32 to vector<128x128xf32>
    %max3A_262 = arith.maximumf %sub3A_259, %max3A_261 : vector<128x128xf32>
    %sub3A_263 = arith.subf %min3A_258, %max3A_248 : vector<128x128xf32>
    %max3A_264 = arith.constant 0.000000e+00 : f32
    %max3A_265 = vector.broadcast %max3A_264 : f32 to vector<128x128xf32>
    %max3A_266 = arith.maximumf %sub3A_263, %max3A_265 : vector<128x128xf32>
    %mul3A_267 = arith.mulf %max3A_262, %max3A_266 : vector<128x128xf32>
    %get3A_268 = arith.constant 0 : index
    %get3A_269 = arith.constant 0 : index
    %get3A_270 = vector.load %arg7[%get3A_268, %get3A_269] : memref<640x128xf32, #tpu.memory_space<vmem>>, vector<128x128xf32>
    %add3A_271 = vector.broadcast %broadcast_in_dim3A_238 : vector<1x128xf32> to vector<128x128xf32>
    %add3A_272 = arith.addf %add3A_271, %get3A_270 : vector<128x128xf32>
    %sub3A_273 = arith.subf %add3A_272, %mul3A_267 : vector<128x128xf32>
    %add3A_274 = arith.constant 9.99999997E-7 : f32
    %add3A_275 = vector.broadcast %add3A_274 : f32 to vector<128x128xf32>
    %add3A_276 = arith.addf %sub3A_273, %add3A_275 : vector<128x128xf32>
    %div3A_277 = arith.divf %mul3A_267, %add3A_276 : vector<128x128xf32>
    %ge3A_278 = arith.constant 5.000000e-01 : f32
    %ge3A_279 = vector.broadcast %ge3A_278 : f32 to vector<128x128xf32>
    %ge3A_280 = arith.cmpf oge, %div3A_277, %ge3A_279 : vector<128x128xf32>
    %reduce_or3A_281 = arith.constant 1.000000e+00 : f32
    %reduce_or3A_282 = arith.constant 0.000000e+00 : f32
    %reduce_or3A_283 = vector.broadcast %reduce_or3A_281 : f32 to vector<128x128xf32>
    %reduce_or3A_284 = vector.broadcast %reduce_or3A_282 : f32 to vector<128x128xf32>
    %reduce_or3A_285 = arith.select %ge3A_280, %reduce_or3A_283, %reduce_or3A_284 : vector<128x128xi1>, vector<128x128xf32>
    %reduce_or3A_286 = arith.constant dense<0xFF800000> : vector<128xf32>
    %reduce_or3A_287 = vector.multi_reduction <maximumf>, %reduce_or3A_285, %reduce_or3A_286 [0] : vector<128x128xf32> to vector<128xf32>
    %reduce_or3A_288 = arith.constant 0.000000e+00 : f32
    %reduce_or3A_289 = vector.broadcast %reduce_or3A_288 : f32 to vector<128xf32>
    %reduce_or3A_290 = arith.cmpf ogt, %reduce_or3A_287, %reduce_or3A_289 : vector<128xf32>
    %broadcast_in_dim3A_291 = vector.shape_cast %reduce_or3A_290 : vector<128xi1> to vector<1x128xi1>
    %not3A = arith.constant dense<true> : vector<1x128xi1>
    %not3A_292 = arith.xori %broadcast_in_dim3A_291, %not3A : vector<1x128xi1>
    %max3A_293 = vector.broadcast %get3A_178 : vector<128x1xf32> to vector<128x128xf32>
    %max3A_294 = vector.broadcast %broadcast_in_dim3A_202 : vector<1x128xf32> to vector<128x128xf32>
    %max3A_295 = arith.maximumf %max3A_293, %max3A_294 : vector<128x128xf32>
    %max3A_296 = vector.broadcast %get3A_181 : vector<128x1xf32> to vector<128x128xf32>
    %max3A_297 = vector.broadcast %broadcast_in_dim3A_211 : vector<1x128xf32> to vector<128x128xf32>
    %max3A_298 = arith.maximumf %max3A_296, %max3A_297 : vector<128x128xf32>
    %min3A_299 = vector.broadcast %get3A_184 : vector<128x1xf32> to vector<128x128xf32>
    %min3A_300 = vector.broadcast %broadcast_in_dim3A_220 : vector<1x128xf32> to vector<128x128xf32>
    %min3A_301 = arith.minimumf %min3A_299, %min3A_300 : vector<128x128xf32>
    %min3A_302 = vector.broadcast %get3A_187 : vector<128x1xf32> to vector<128x128xf32>
    %min3A_303 = vector.broadcast %broadcast_in_dim3A_229 : vector<1x128xf32> to vector<128x128xf32>
    %min3A_304 = arith.minimumf %min3A_302, %min3A_303 : vector<128x128xf32>
    %sub3A_305 = arith.subf %min3A_301, %max3A_295 : vector<128x128xf32>
    %max3A_306 = arith.constant 0.000000e+00 : f32
    %max3A_307 = vector.broadcast %max3A_306 : f32 to vector<128x128xf32>
    %max3A_308 = arith.maximumf %sub3A_305, %max3A_307 : vector<128x128xf32>
    %sub3A_309 = arith.subf %min3A_304, %max3A_298 : vector<128x128xf32>
    %max3A_310 = arith.constant 0.000000e+00 : f32
    %max3A_311 = vector.broadcast %max3A_310 : f32 to vector<128x128xf32>
    %max3A_312 = arith.maximumf %sub3A_309, %max3A_311 : vector<128x128xf32>
    %mul3A_313 = arith.mulf %max3A_308, %max3A_312 : vector<128x128xf32>
    %add3A_314 = vector.broadcast %mul3A_193 : vector<128x1xf32> to vector<128x128xf32>
    %add3A_315 = vector.broadcast %broadcast_in_dim3A_238 : vector<1x128xf32> to vector<128x128xf32>
    %add3A_316 = arith.addf %add3A_314, %add3A_315 : vector<128x128xf32>
    %sub3A_317 = arith.subf %add3A_316, %mul3A_313 : vector<128x128xf32>
    %add3A_318 = arith.constant 9.99999997E-7 : f32
    %add3A_319 = vector.broadcast %add3A_318 : f32 to vector<128x128xf32>
    %add3A_320 = arith.addf %sub3A_317, %add3A_319 : vector<128x128xf32>
    %div3A_321 = arith.divf %mul3A_313, %add3A_320 : vector<128x128xf32>
    %ge3A_322 = arith.constant 5.000000e-01 : f32
    %ge3A_323 = vector.broadcast %ge3A_322 : f32 to vector<128x128xf32>
    %ge3A_324 = arith.cmpf oge, %div3A_321, %ge3A_323 : vector<128x128xf32>
    %lt3A_325 = arith.cmpi slt, %iota3A, %iota3A_33 : vector<128x128xi32>
    %and3A_326 = arith.andi %ge3A_324, %lt3A_325 : vector<128x128xi1>
    %convert_element_type3A_327 = arith.extui %not3A_292 : vector<1x128xi1> to vector<1x128xi32>
    %swap3A_328 = arith.constant 0 : index
    %swap3A_329 = arith.constant 0 : index
    %swap3A_330 = vector.load %arg9[%swap3A_328, %swap3A_329] : memref<1x128xi32, #tpu.memory_space<vmem>>, vector<1x128xi32>
    tpu.vector_store %arg9[%swap3A_328, %swap3A_329], %convert_element_type3A_327 {strides = array<i32>} : memref<1x128xi32, #tpu.memory_space<vmem>>, vector<1x128xi32>,
    %while3A_331 = arith.constant true
    %while3A_332 = scf.while (%while3A_1013 = %while3A_331) : (i1) -> i1 {
      scf.condition(%while3A_1013) %while3A_1013 : i1
    } do {
    ^bb0(%while3A_1013: i1):
      %get3A_1014 = arith.constant 0 : index
      %get3A_1015 = arith.constant 0 : index
      %get3A_1016 = vector.load %arg9[%get3A_1014, %get3A_1015] : memref<1x128xi32, #tpu.memory_space<vmem>>, vector<1x128xi32>
      %ne3A_1017 = arith.constant 0 : i32
      %ne3A_1018 = vector.broadcast %ne3A_1017 : i32 to vector<1x128xi32>
      %ne3A_1019 = arith.cmpi ne, %get3A_1016, %ne3A_1018 : vector<1x128xi32>
      %eq3A_1020 = arith.cmpi eq, %iota3A_33, %iota3A : vector<128x128xi32>
      %and3A_1021 = vector.broadcast %ne3A_1019 : vector<1x128xi1> to vector<128x128xi1>
      %and3A_1022 = arith.andi %eq3A_1020, %and3A_1021 : vector<128x128xi1>
      %reduce_or3A_1023 = arith.constant 1.000000e+00 : f32
      %reduce_or3A_1024 = arith.constant 0.000000e+00 : f32
      %reduce_or3A_1025 = vector.broadcast %reduce_or3A_1023 : f32 to vector<128x128xf32>
      %reduce_or3A_1026 = vector.broadcast %reduce_or3A_1024 : f32 to vector<128x128xf32>
      %reduce_or3A_1027 = arith.select %and3A_1022, %reduce_or3A_1025, %reduce_or3A_1026 : vector<128x128xi1>, vector<128x128xf32>
      %reduce_or3A_1028 = arith.constant dense<0xFF800000> : vector<128xf32>
      %reduce_or3A_1029 = vector.multi_reduction <maximumf>, %reduce_or3A_1027, %reduce_or3A_1028 [1] : vector<128x128xf32> to vector<128xf32>
      %reduce_or3A_1030 = arith.constant 0.000000e+00 : f32
      %reduce_or3A_1031 = vector.broadcast %reduce_or3A_1030 : f32 to vector<128xf32>
      %reduce_or3A_1032 = arith.cmpf ogt, %reduce_or3A_1029, %reduce_or3A_1031 : vector<128xf32>
      %broadcast_in_dim3A_1033 = vector.shape_cast %reduce_or3A_1032 : vector<128xi1> to vector<128x1xi1>
      %and3A_1034 = vector.broadcast %broadcast_in_dim3A_1033 : vector<128x1xi1> to vector<128x128xi1>
      %and3A_1035 = arith.andi %and3A_326, %and3A_1034 : vector<128x128xi1>
      %reduce_or3A_1036 = arith.constant 1.000000e+00 : f32
      %reduce_or3A_1037 = arith.constant 0.000000e+00 : f32
      %reduce_or3A_1038 = vector.broadcast %reduce_or3A_1036 : f32 to vector<128x128xf32>
      %reduce_or3A_1039 = vector.broadcast %reduce_or3A_1037 : f32 to vector<128x128xf32>
      %reduce_or3A_1040 = arith.select %and3A_1035, %reduce_or3A_1038, %reduce_or3A_1039 : vector<128x128xi1>, vector<128x128xf32>
      %reduce_or3A_1041 = arith.constant dense<0xFF800000> : vector<128xf32>
      %reduce_or3A_1042 = vector.multi_reduction <maximumf>, %reduce_or3A_1040, %reduce_or3A_1041 [0] : vector<128x128xf32> to vector<128xf32>
      %reduce_or3A_1043 = arith.constant 0.000000e+00 : f32
      %reduce_or3A_1044 = vector.broadcast %reduce_or3A_1043 : f32 to vector<128xf32>
      %reduce_or3A_1045 = arith.cmpf ogt, %reduce_or3A_1042, %reduce_or3A_1044 : vector<128xf32>
      %broadcast_in_dim3A_1046 = vector.shape_cast %reduce_or3A_1045 : vector<128xi1> to vector<1x128xi1>
      %not3A_1047 = arith.constant dense<true> : vector<1x128xi1>
      %not3A_1048 = arith.xori %broadcast_in_dim3A_1046, %not3A_1047 : vector<1x128xi1>
      %and3A_1049 = arith.andi %not3A_292, %not3A_1048 : vector<1x128xi1>
      %convert_element_type3A_1050 = arith.extui %and3A_1049 : vector<1x128xi1> to vector<1x128xi32>
      %swap3A_1051 = arith.constant 0 : index
      %swap3A_1052 = arith.constant 0 : index
      %swap3A_1053 = vector.load %arg9[%swap3A_1051, %swap3A_1052] : memref<1x128xi32, #tpu.memory_space<vmem>>, vector<1x128xi32>
      tpu.vector_store %arg9[%swap3A_1051, %swap3A_1052], %convert_element_type3A_1050 {strides = array<i32>} : memref<1x128xi32, #tpu.memory_space<vmem>>, vector<1x128xi32>,
      %ne3A_1054 = arith.xori %and3A_1049, %ne3A_1019 : vector<1x128xi1>
      %reduce_or3A_1055 = arith.constant 1.000000e+00 : f32
      %reduce_or3A_1056 = arith.constant 0.000000e+00 : f32
      %reduce_or3A_1057 = vector.broadcast %reduce_or3A_1055 : f32 to vector<1x128xf32>
      %reduce_or3A_1058 = vector.broadcast %reduce_or3A_1056 : f32 to vector<1x128xf32>
      %reduce_or3A_1059 = arith.select %ne3A_1054, %reduce_or3A_1057, %reduce_or3A_1058 : vector<1x128xi1>, vector<1x128xf32>
      %reduce_or3A_1060 = vector.shape_cast %reduce_or3A_1059 : vector<1x128xf32> to vector<1x1x128xf32>
      %reduce_or3A_1061 = arith.constant dense<0xFF800000> : vector<1xf32>
      %reduce_or3A_1062 = vector.multi_reduction <maximumf>, %reduce_or3A_1060, %reduce_or3A_1061 [1, 2] : vector<1x1x128xf32> to vector<1xf32>
      %reduce_or3A_1063 = vector.shape_cast %reduce_or3A_1062 : vector<1xf32> to vector<1x1x1xf32>
      %reduce_or3A_1064 = vector.extract %reduce_or3A_1063[0, 0, 0] : f32 from vector<1x1x1xf32>
      %reduce_or3A_1065 = arith.constant 0.000000e+00 : f32
      %reduce_or3A_1066 = arith.cmpf ogt, %reduce_or3A_1064, %reduce_or3A_1065 : f32
      scf.yield %reduce_or3A_1066 : i1
    }
    %get3A_333 = arith.constant 0 : index
    %get3A_334 = arith.constant 0 : index
    %get3A_335 = vector.load %arg9[%get3A_333, %get3A_334] : memref<1x128xi32, #tpu.memory_space<vmem>>, vector<1x128xi32>
    %ne3A_336 = arith.constant 0 : i32
    %ne3A_337 = vector.broadcast %ne3A_336 : i32 to vector<1x128xi32>
    %ne3A_338 = arith.cmpi ne, %get3A_335, %ne3A_337 : vector<1x128xi32>
    %convert_element_type3A_339 = arith.extui %ne3A_338 : vector<1x128xi1> to vector<1x128xi32>
    %convert_element_type3A_340 = arith.sitofp %convert_element_type3A_339 : vector<1x128xi32> to vector<1x128xf32>
    %eq3A_341 = arith.cmpi eq, %iota3A_33, %iota3A : vector<128x128xi32>
    %and3A_342 = vector.broadcast %ne3A_338 : vector<1x128xi1> to vector<128x128xi1>
    %and3A_343 = arith.andi %eq3A_341, %and3A_342 : vector<128x128xi1>
    %reduce_or3A_344 = arith.constant 1.000000e+00 : f32
    %reduce_or3A_345 = arith.constant 0.000000e+00 : f32
    %reduce_or3A_346 = vector.broadcast %reduce_or3A_344 : f32 to vector<128x128xf32>
    %reduce_or3A_347 = vector.broadcast %reduce_or3A_345 : f32 to vector<128x128xf32>
    %reduce_or3A_348 = arith.select %and3A_343, %reduce_or3A_346, %reduce_or3A_347 : vector<128x128xi1>, vector<128x128xf32>
    %reduce_or3A_349 = arith.constant dense<0xFF800000> : vector<128xf32>
    %reduce_or3A_350 = vector.multi_reduction <maximumf>, %reduce_or3A_348, %reduce_or3A_349 [1] : vector<128x128xf32> to vector<128xf32>
    %reduce_or3A_351 = arith.constant 0.000000e+00 : f32
    %reduce_or3A_352 = vector.broadcast %reduce_or3A_351 : f32 to vector<128xf32>
    %reduce_or3A_353 = arith.cmpf ogt, %reduce_or3A_350, %reduce_or3A_352 : vector<128xf32>
    %broadcast_in_dim3A_354 = vector.shape_cast %reduce_or3A_353 : vector<128xi1> to vector<128x1xi1>
    %dot_general3A_355 = arith.constant dense<0.000000e+00> : vector<1x128xf32>
    %dot_general3A_356 = tpu.matmul %convert_element_type3A_340, %convert_element_type3A_34, %dot_general3A_355 {dimension_numbers = #tpu.dot_dimension_numbers<[1], [0], [0], [1], [0, 0, 1, 1], [], []>, transpose_lhs_hint = false} : vector<1x128xf32>, vector<128x128xf32>, vector<1x128xf32> -> vector<1x128xf32>
    %convert_element_type3A_357 = arith.fptosi %dot_general3A_356 : vector<1x128xf32> to vector<1x128xi32>
    %eq3A_358 = vector.broadcast %convert_element_type3A_357 : vector<1x128xi32> to vector<128x128xi32>
    %eq3A_359 = arith.cmpi eq, %iota3A, %eq3A_358 : vector<128x128xi32>
    %and3A_360 = vector.broadcast %ne3A_338 : vector<1x128xi1> to vector<128x128xi1>
    %and3A_361 = arith.andi %eq3A_359, %and3A_360 : vector<128x128xi1>
    %convert_element_type3A_362 = arith.extui %and3A_361 : vector<128x128xi1> to vector<128x128xi32>
    %convert_element_type3A_363 = arith.sitofp %convert_element_type3A_362 : vector<128x128xi32> to vector<128x128xf32>
    %broadcast_in_dim3A_364 = arith.constant 0.000000e+00 : f32
    %broadcast_in_dim3A_365 = vector.broadcast %broadcast_in_dim3A_364 : f32 to vector<128x3xf32>
    %concatenate3A_366 = tpu.concatenate %get3A_178, %get3A_181, %get3A_184, %get3A_187, %get3A_190, %broadcast_in_dim3A_365 in 1 : vector<128x1xf32>, vector<128x1xf32>, vector<128x1xf32>, vector<128x1xf32>, vector<128x1xf32>, vector<128x3xf32> -> vector<128x8xf32>
    %dot_general3A_367 = arith.constant dense<0.000000e+00> : vector<128x8xf32>
    %dot_general3A_368 = tpu.matmul %convert_element_type3A_363, %concatenate3A_366, %dot_general3A_367 {dimension_numbers = #tpu.dot_dimension_numbers<[1], [0], [0], [1], [0, 0, 1, 1], [], []>, precision = #tpu.contract_precision<fp32>, transpose_lhs_hint = false} : vector<128x128xf32>, vector<128x8xf32>, vector<128x8xf32> -> vector<128x8xf32>
    %convert_element_type3A_369 = arith.extui %lt3A_175 : i1 to i32
    %cond3A_370 = arith.constant 0 : i32
    %cond3A_371 = arith.cmpi ne, %convert_element_type3A_369, %cond3A_370 : i32
    scf.if %cond3A_371 {
      %jit3A_1013 = arith.constant -1.000000e+09 : f32
      %broadcast_in_dim3A_1014 = vector.broadcast %jit3A_1013 : f32 to vector<128x1xf32>
      %select_n3A_1015 = arith.select %broadcast_in_dim3A_354, %get3A_178, %broadcast_in_dim3A_1014 : vector<128x1xi1>, vector<128x1xf32>
      %broadcast_in_dim3A_1016 = vector.shape_cast %select_n3A_1015 : vector<128x1xf32> to vector<128x1xf32>
      %broadcast_in_dim3A_1017 = vector.broadcast %broadcast_in_dim3A_1016 : vector<128x1xf32> to vector<128x128xf32>
      %swap3A_1018 = arith.constant 128 : index
      %swap3A_1019 = arith.constant 0 : index
      %swap3A_1020 = vector.load %arg3[%swap3A_1018, %swap3A_1019] : memref<640x128xf32, #tpu.memory_space<vmem>>, vector<128x128xf32>
      tpu.vector_store %arg3[%swap3A_1018, %swap3A_1019], %broadcast_in_dim3A_1017 {strides = array<i32>} : memref<640x128xf32, #tpu.memory_space<vmem>>, vector<128x128xf32>,
      %jit3A_1021 = arith.constant -1.000000e+09 : f32
      %broadcast_in_dim3A_1022 = vector.broadcast %jit3A_1021 : f32 to vector<128x1xf32>
      %select_n3A_1023 = arith.select %broadcast_in_dim3A_354, %get3A_181, %broadcast_in_dim3A_1022 : vector<128x1xi1>, vector<128x1xf32>
      %broadcast_in_dim3A_1024 = vector.shape_cast %select_n3A_1023 : vector<128x1xf32> to vector<128x1xf32>
      %broadcast_in_dim3A_1025 = vector.broadcast %broadcast_in_dim3A_1024 : vector<128x1xf32> to vector<128x128xf32>
      %swap3A_1026 = arith.constant 128 : index
      %swap3A_1027 = arith.constant 0 : index
      %swap3A_1028 = vector.load %arg4[%swap3A_1026, %swap3A_1027] : memref<640x128xf32, #tpu.memory_space<vmem>>, vector<128x128xf32>
      tpu.vector_store %arg4[%swap3A_1026, %swap3A_1027], %broadcast_in_dim3A_1025 {strides = array<i32>} : memref<640x128xf32, #tpu.memory_space<vmem>>, vector<128x128xf32>,
      %jit3A_1029 = arith.constant -1.000000e+09 : f32
      %broadcast_in_dim3A_1030 = vector.broadcast %jit3A_1029 : f32 to vector<128x1xf32>
      %select_n3A_1031 = arith.select %broadcast_in_dim3A_354, %get3A_184, %broadcast_in_dim3A_1030 : vector<128x1xi1>, vector<128x1xf32>
      %broadcast_in_dim3A_1032 = vector.shape_cast %select_n3A_1031 : vector<128x1xf32> to vector<128x1xf32>
      %broadcast_in_dim3A_1033 = vector.broadcast %broadcast_in_dim3A_1032 : vector<128x1xf32> to vector<128x128xf32>
      %swap3A_1034 = arith.constant 128 : index
      %swap3A_1035 = arith.constant 0 : index
      %swap3A_1036 = vector.load %arg5[%swap3A_1034, %swap3A_1035] : memref<640x128xf32, #tpu.memory_space<vmem>>, vector<128x128xf32>
      tpu.vector_store %arg5[%swap3A_1034, %swap3A_1035], %broadcast_in_dim3A_1033 {strides = array<i32>} : memref<640x128xf32, #tpu.memory_space<vmem>>, vector<128x128xf32>,
      %jit3A_1037 = arith.constant -1.000000e+09 : f32
      %broadcast_in_dim3A_1038 = vector.broadcast %jit3A_1037 : f32 to vector<128x1xf32>
      %select_n3A_1039 = arith.select %broadcast_in_dim3A_354, %get3A_187, %broadcast_in_dim3A_1038 : vector<128x1xi1>, vector<128x1xf32>
      %broadcast_in_dim3A_1040 = vector.shape_cast %select_n3A_1039 : vector<128x1xf32> to vector<128x1xf32>
      %broadcast_in_dim3A_1041 = vector.broadcast %broadcast_in_dim3A_1040 : vector<128x1xf32> to vector<128x128xf32>
      %swap3A_1042 = arith.constant 128 : index
      %swap3A_1043 = arith.constant 0 : index
      %swap3A_1044 = vector.load %arg6[%swap3A_1042, %swap3A_1043] : memref<640x128xf32, #tpu.memory_space<vmem>>, vector<128x128xf32>
      tpu.vector_store %arg6[%swap3A_1042, %swap3A_1043], %broadcast_in_dim3A_1041 {strides = array<i32>} : memref<640x128xf32, #tpu.memory_space<vmem>>, vector<128x128xf32>,
      %jit3A_1045 = arith.constant 0.000000e+00 : f32
      %broadcast_in_dim3A_1046 = vector.broadcast %jit3A_1045 : f32 to vector<128x1xf32>
      %select_n3A_1047 = arith.select %broadcast_in_dim3A_354, %mul3A_193, %broadcast_in_dim3A_1046 : vector<128x1xi1>, vector<128x1xf32>
      %broadcast_in_dim3A_1048 = vector.shape_cast %select_n3A_1047 : vector<128x1xf32> to vector<128x1xf32>
      %broadcast_in_dim3A_1049 = vector.broadcast %broadcast_in_dim3A_1048 : vector<128x1xf32> to vector<128x128xf32>
      %swap3A_1050 = arith.constant 128 : index
      %swap3A_1051 = arith.constant 0 : index
      %swap3A_1052 = vector.load %arg7[%swap3A_1050, %swap3A_1051] : memref<640x128xf32, #tpu.memory_space<vmem>>, vector<128x128xf32>
      tpu.vector_store %arg7[%swap3A_1050, %swap3A_1051], %broadcast_in_dim3A_1049 {strides = array<i32>} : memref<640x128xf32, #tpu.memory_space<vmem>>, vector<128x128xf32>,
      %swap3A_1053 = arith.index_cast %select_n3A_173 : i32 to index
      %swap3A_1054 = arith.constant 0 : index
      %swap3A_1055 = vector.load %arg8[%swap3A_1053, %swap3A_1054] : memref<640x8xf32, #tpu.memory_space<vmem>>, vector<128x8xf32>
      tpu.vector_store %arg8[%swap3A_1053, %swap3A_1054], %dot_general3A_368 {strides = array<i32>} : memref<640x8xf32, #tpu.memory_space<vmem>>, vector<128x8xf32>,
    } else {
    }
    %reduce_sum3A_372 = vector.shape_cast %convert_element_type3A_340 : vector<1x128xf32> to vector<1x1x128xf32>
    %reduce_sum3A_373 = arith.constant dense<0.000000e+00> : vector<1xf32>
    %reduce_sum3A_374 = vector.multi_reduction <add>, %reduce_sum3A_372, %reduce_sum3A_373 [1, 2] : vector<1x1x128xf32> to vector<1xf32>
    %reduce_sum3A_375 = vector.shape_cast %reduce_sum3A_374 : vector<1xf32> to vector<1x1x1xf32>
    %reduce_sum3A_376 = vector.extract %reduce_sum3A_375[0, 0, 0] : f32 from vector<1x1x1xf32>
    %convert_element_type3A_377 = arith.fptosi %reduce_sum3A_376 : f32 to i32
    %add3A_378 = arith.addi %select_n3A_173, %convert_element_type3A_377 : i32
    %select_n3A_379 = arith.select %lt3A_175, %add3A_378, %select_n3A_173 : i32
    %lt3A_380 = arith.constant 500 : i32
    %lt3A_381 = arith.cmpi slt, %select_n3A_379, %lt3A_380 : i32
    %get3A_382 = arith.constant 256 : index
    %get3A_383 = arith.constant 0 : index
    %get3A_384 = vector.load %arg0[%get3A_382, %get3A_383] : memref<640x5xf32, #tpu.memory_space<vmem>>, vector<128x1xf32>
    %get3A_385 = arith.constant 256 : index
    %get3A_386 = arith.constant 1 : index
    %get3A_387 = vector.load %arg0[%get3A_385, %get3A_386] : memref<640x5xf32, #tpu.memory_space<vmem>>, vector<128x1xf32>
    %get3A_388 = arith.constant 256 : index
    %get3A_389 = arith.constant 2 : index
    %get3A_390 = vector.load %arg0[%get3A_388, %get3A_389] : memref<640x5xf32, #tpu.memory_space<vmem>>, vector<128x1xf32>
    %get3A_391 = arith.constant 256 : index
    %get3A_392 = arith.constant 3 : index
    %get3A_393 = vector.load %arg0[%get3A_391, %get3A_392] : memref<640x5xf32, #tpu.memory_space<vmem>>, vector<128x1xf32>
    %get3A_394 = arith.constant 256 : index
    %get3A_395 = arith.constant 4 : index
    %get3A_396 = vector.load %arg0[%get3A_394, %get3A_395] : memref<640x5xf32, #tpu.memory_space<vmem>>, vector<128x1xf32>
    %sub3A_397 = arith.subf %get3A_390, %get3A_384 : vector<128x1xf32>
    %sub3A_398 = arith.subf %get3A_393, %get3A_387 : vector<128x1xf32>
    %mul3A_399 = arith.mulf %sub3A_397, %sub3A_398 : vector<128x1xf32>
    %eq3A_400 = arith.cmpi eq, %iota3A, %iota3A_33 : vector<128x128xi32>
    %jit3A_401 = arith.constant 0.000000e+00 : f32
    %broadcast_in_dim3A_402 = vector.shape_cast %get3A_384 : vector<128x1xf32> to vector<128x1xf32>
    %broadcast_in_dim3A_403 = vector.broadcast %broadcast_in_dim3A_402 : vector<128x1xf32> to vector<128x128xf32>
    %broadcast_in_dim3A_404 = vector.broadcast %jit3A_401 : f32 to vector<128x128xf32>
    %select_n3A_405 = arith.select %eq3A_400, %broadcast_in_dim3A_403, %broadcast_in_dim3A_404 : vector<128x128xi1>, vector<128x128xf32>
    %reduce_sum3A_406 = arith.constant dense<0.000000e+00> : vector<128xf32>
    %reduce_sum3A_407 = vector.multi_reduction <add>, %select_n3A_405, %reduce_sum3A_406 [0] : vector<128x128xf32> to vector<128xf32>
    %broadcast_in_dim3A_408 = vector.shape_cast %reduce_sum3A_407 : vector<128xf32> to vector<1x128xf32>
    %eq3A_409 = arith.cmpi eq, %iota3A, %iota3A_33 : vector<128x128xi32>
    %jit3A_410 = arith.constant 0.000000e+00 : f32
    %broadcast_in_dim3A_411 = vector.shape_cast %get3A_387 : vector<128x1xf32> to vector<128x1xf32>
    %broadcast_in_dim3A_412 = vector.broadcast %broadcast_in_dim3A_411 : vector<128x1xf32> to vector<128x128xf32>
    %broadcast_in_dim3A_413 = vector.broadcast %jit3A_410 : f32 to vector<128x128xf32>
    %select_n3A_414 = arith.select %eq3A_409, %broadcast_in_dim3A_412, %broadcast_in_dim3A_413 : vector<128x128xi1>, vector<128x128xf32>
    %reduce_sum3A_415 = arith.constant dense<0.000000e+00> : vector<128xf32>
    %reduce_sum3A_416 = vector.multi_reduction <add>, %select_n3A_414, %reduce_sum3A_415 [0] : vector<128x128xf32> to vector<128xf32>
    %broadcast_in_dim3A_417 = vector.shape_cast %reduce_sum3A_416 : vector<128xf32> to vector<1x128xf32>
    %eq3A_418 = arith.cmpi eq, %iota3A, %iota3A_33 : vector<128x128xi32>
    %jit3A_419 = arith.constant 0.000000e+00 : f32
    %broadcast_in_dim3A_420 = vector.shape_cast %get3A_390 : vector<128x1xf32> to vector<128x1xf32>
    %broadcast_in_dim3A_421 = vector.broadcast %broadcast_in_dim3A_420 : vector<128x1xf32> to vector<128x128xf32>
    %broadcast_in_dim3A_422 = vector.broadcast %jit3A_419 : f32 to vector<128x128xf32>
    %select_n3A_423 = arith.select %eq3A_418, %broadcast_in_dim3A_421, %broadcast_in_dim3A_422 : vector<128x128xi1>, vector<128x128xf32>
    %reduce_sum3A_424 = arith.constant dense<0.000000e+00> : vector<128xf32>
    %reduce_sum3A_425 = vector.multi_reduction <add>, %select_n3A_423, %reduce_sum3A_424 [0] : vector<128x128xf32> to vector<128xf32>
    %broadcast_in_dim3A_426 = vector.shape_cast %reduce_sum3A_425 : vector<128xf32> to vector<1x128xf32>
    %eq3A_427 = arith.cmpi eq, %iota3A, %iota3A_33 : vector<128x128xi32>
    %jit3A_428 = arith.constant 0.000000e+00 : f32
    %broadcast_in_dim3A_429 = vector.shape_cast %get3A_393 : vector<128x1xf32> to vector<128x1xf32>
    %broadcast_in_dim3A_430 = vector.broadcast %broadcast_in_dim3A_429 : vector<128x1xf32> to vector<128x128xf32>
    %broadcast_in_dim3A_431 = vector.broadcast %jit3A_428 : f32 to vector<128x128xf32>
    %select_n3A_432 = arith.select %eq3A_427, %broadcast_in_dim3A_430, %broadcast_in_dim3A_431 : vector<128x128xi1>, vector<128x128xf32>
    %reduce_sum3A_433 = arith.constant dense<0.000000e+00> : vector<128xf32>
    %reduce_sum3A_434 = vector.multi_reduction <add>, %select_n3A_432, %reduce_sum3A_433 [0] : vector<128x128xf32> to vector<128xf32>
    %broadcast_in_dim3A_435 = vector.shape_cast %reduce_sum3A_434 : vector<128xf32> to vector<1x128xf32>
    %eq3A_436 = arith.cmpi eq, %iota3A, %iota3A_33 : vector<128x128xi32>
    %jit3A_437 = arith.constant 0.000000e+00 : f32
    %broadcast_in_dim3A_438 = vector.shape_cast %mul3A_399 : vector<128x1xf32> to vector<128x1xf32>
    %broadcast_in_dim3A_439 = vector.broadcast %broadcast_in_dim3A_438 : vector<128x1xf32> to vector<128x128xf32>
    %broadcast_in_dim3A_440 = vector.broadcast %jit3A_437 : f32 to vector<128x128xf32>
    %select_n3A_441 = arith.select %eq3A_436, %broadcast_in_dim3A_439, %broadcast_in_dim3A_440 : vector<128x128xi1>, vector<128x128xf32>
    %reduce_sum3A_442 = arith.constant dense<0.000000e+00> : vector<128xf32>
    %reduce_sum3A_443 = vector.multi_reduction <add>, %select_n3A_441, %reduce_sum3A_442 [0] : vector<128x128xf32> to vector<128xf32>
    %broadcast_in_dim3A_444 = vector.shape_cast %reduce_sum3A_443 : vector<128xf32> to vector<1x128xf32>
    %get3A_445 = arith.constant 0 : index
    %get3A_446 = arith.constant 0 : index
    %get3A_447 = vector.load %arg3[%get3A_445, %get3A_446] : memref<640x128xf32, #tpu.memory_space<vmem>>, vector<256x128xf32>
    %max3A_448 = vector.broadcast %broadcast_in_dim3A_408 : vector<1x128xf32> to vector<256x128xf32>
    %max3A_449 = arith.maximumf %get3A_447, %max3A_448 : vector<256x128xf32>
    %get3A_450 = arith.constant 0 : index
    %get3A_451 = arith.constant 0 : index
    %get3A_452 = vector.load %arg4[%get3A_450, %get3A_451] : memref<640x128xf32, #tpu.memory_space<vmem>>, vector<256x128xf32>
    %max3A_453 = vector.broadcast %broadcast_in_dim3A_417 : vector<1x128xf32> to vector<256x128xf32>
    %max3A_454 = arith.maximumf %get3A_452, %max3A_453 : vector<256x128xf32>
    %get3A_455 = arith.constant 0 : index
    %get3A_456 = arith.constant 0 : index
    %get3A_457 = vector.load %arg5[%get3A_455, %get3A_456] : memref<640x128xf32, #tpu.memory_space<vmem>>, vector<256x128xf32>
    %min3A_458 = vector.broadcast %broadcast_in_dim3A_426 : vector<1x128xf32> to vector<256x128xf32>
    %min3A_459 = arith.minimumf %get3A_457, %min3A_458 : vector<256x128xf32>
    %get3A_460 = arith.constant 0 : index
    %get3A_461 = arith.constant 0 : index
    %get3A_462 = vector.load %arg6[%get3A_460, %get3A_461] : memref<640x128xf32, #tpu.memory_space<vmem>>, vector<256x128xf32>
    %min3A_463 = vector.broadcast %broadcast_in_dim3A_435 : vector<1x128xf32> to vector<256x128xf32>
    %min3A_464 = arith.minimumf %get3A_462, %min3A_463 : vector<256x128xf32>
    %sub3A_465 = arith.subf %min3A_459, %max3A_449 : vector<256x128xf32>
    %max3A_466 = arith.constant 0.000000e+00 : f32
    %max3A_467 = vector.broadcast %max3A_466 : f32 to vector<256x128xf32>
    %max3A_468 = arith.maximumf %sub3A_465, %max3A_467 : vector<256x128xf32>
    %sub3A_469 = arith.subf %min3A_464, %max3A_454 : vector<256x128xf32>
    %max3A_470 = arith.constant 0.000000e+00 : f32
    %max3A_471 = vector.broadcast %max3A_470 : f32 to vector<256x128xf32>
    %max3A_472 = arith.maximumf %sub3A_469, %max3A_471 : vector<256x128xf32>
    %mul3A_473 = arith.mulf %max3A_468, %max3A_472 : vector<256x128xf32>
    %get3A_474 = arith.constant 0 : index
    %get3A_475 = arith.constant 0 : index
    %get3A_476 = vector.load %arg7[%get3A_474, %get3A_475] : memref<640x128xf32, #tpu.memory_space<vmem>>, vector<256x128xf32>
    %add3A_477 = vector.broadcast %broadcast_in_dim3A_444 : vector<1x128xf32> to vector<256x128xf32>
    %add3A_478 = arith.addf %add3A_477, %get3A_476 : vector<256x128xf32>
    %sub3A_479 = arith.subf %add3A_478, %mul3A_473 : vector<256x128xf32>
    %add3A_480 = arith.constant 9.99999997E-7 : f32
    %add3A_481 = vector.broadcast %add3A_480 : f32 to vector<256x128xf32>
    %add3A_482 = arith.addf %sub3A_479, %add3A_481 : vector<256x128xf32>
    %div3A_483 = arith.divf %mul3A_473, %add3A_482 : vector<256x128xf32>
    %ge3A_484 = arith.constant 5.000000e-01 : f32
    %ge3A_485 = vector.broadcast %ge3A_484 : f32 to vector<256x128xf32>
    %ge3A_486 = arith.cmpf oge, %div3A_483, %ge3A_485 : vector<256x128xf32>
    %reduce_or3A_487 = arith.constant 1.000000e+00 : f32
    %reduce_or3A_488 = arith.constant 0.000000e+00 : f32
    %reduce_or3A_489 = vector.broadcast %reduce_or3A_487 : f32 to vector<256x128xf32>
    %reduce_or3A_490 = vector.broadcast %reduce_or3A_488 : f32 to vector<256x128xf32>
    %reduce_or3A_491 = arith.select %ge3A_486, %reduce_or3A_489, %reduce_or3A_490 : vector<256x128xi1>, vector<256x128xf32>
    %reduce_or3A_492 = arith.constant dense<0xFF800000> : vector<128xf32>
    %reduce_or3A_493 = vector.multi_reduction <maximumf>, %reduce_or3A_491, %reduce_or3A_492 [0] : vector<256x128xf32> to vector<128xf32>
    %reduce_or3A_494 = arith.constant 0.000000e+00 : f32
    %reduce_or3A_495 = vector.broadcast %reduce_or3A_494 : f32 to vector<128xf32>
    %reduce_or3A_496 = arith.cmpf ogt, %reduce_or3A_493, %reduce_or3A_495 : vector<128xf32>
    %broadcast_in_dim3A_497 = vector.shape_cast %reduce_or3A_496 : vector<128xi1> to vector<1x128xi1>
    %not3A_498 = arith.constant dense<true> : vector<1x128xi1>
    %not3A_499 = arith.xori %broadcast_in_dim3A_497, %not3A_498 : vector<1x128xi1>
    %max3A_500 = vector.broadcast %get3A_384 : vector<128x1xf32> to vector<128x128xf32>
    %max3A_501 = vector.broadcast %broadcast_in_dim3A_408 : vector<1x128xf32> to vector<128x128xf32>
    %max3A_502 = arith.maximumf %max3A_500, %max3A_501 : vector<128x128xf32>
    %max3A_503 = vector.broadcast %get3A_387 : vector<128x1xf32> to vector<128x128xf32>
    %max3A_504 = vector.broadcast %broadcast_in_dim3A_417 : vector<1x128xf32> to vector<128x128xf32>
    %max3A_505 = arith.maximumf %max3A_503, %max3A_504 : vector<128x128xf32>
    %min3A_506 = vector.broadcast %get3A_390 : vector<128x1xf32> to vector<128x128xf32>
    %min3A_507 = vector.broadcast %broadcast_in_dim3A_426 : vector<1x128xf32> to vector<128x128xf32>
    %min3A_508 = arith.minimumf %min3A_506, %min3A_507 : vector<128x128xf32>
    %min3A_509 = vector.broadcast %get3A_393 : vector<128x1xf32> to vector<128x128xf32>
    %min3A_510 = vector.broadcast %broadcast_in_dim3A_435 : vector<1x128xf32> to vector<128x128xf32>
    %min3A_511 = arith.minimumf %min3A_509, %min3A_510 : vector<128x128xf32>
    %sub3A_512 = arith.subf %min3A_508, %max3A_502 : vector<128x128xf32>
    %max3A_513 = arith.constant 0.000000e+00 : f32
    %max3A_514 = vector.broadcast %max3A_513 : f32 to vector<128x128xf32>
    %max3A_515 = arith.maximumf %sub3A_512, %max3A_514 : vector<128x128xf32>
    %sub3A_516 = arith.subf %min3A_511, %max3A_505 : vector<128x128xf32>
    %max3A_517 = arith.constant 0.000000e+00 : f32
    %max3A_518 = vector.broadcast %max3A_517 : f32 to vector<128x128xf32>
    %max3A_519 = arith.maximumf %sub3A_516, %max3A_518 : vector<128x128xf32>
    %mul3A_520 = arith.mulf %max3A_515, %max3A_519 : vector<128x128xf32>
    %add3A_521 = vector.broadcast %mul3A_399 : vector<128x1xf32> to vector<128x128xf32>
    %add3A_522 = vector.broadcast %broadcast_in_dim3A_444 : vector<1x128xf32> to vector<128x128xf32>
    %add3A_523 = arith.addf %add3A_521, %add3A_522 : vector<128x128xf32>
    %sub3A_524 = arith.subf %add3A_523, %mul3A_520 : vector<128x128xf32>
    %add3A_525 = arith.constant 9.99999997E-7 : f32
    %add3A_526 = vector.broadcast %add3A_525 : f32 to vector<128x128xf32>
    %add3A_527 = arith.addf %sub3A_524, %add3A_526 : vector<128x128xf32>
    %div3A_528 = arith.divf %mul3A_520, %add3A_527 : vector<128x128xf32>
    %ge3A_529 = arith.constant 5.000000e-01 : f32
    %ge3A_530 = vector.broadcast %ge3A_529 : f32 to vector<128x128xf32>
    %ge3A_531 = arith.cmpf oge, %div3A_528, %ge3A_530 : vector<128x128xf32>
    %lt3A_532 = arith.cmpi slt, %iota3A, %iota3A_33 : vector<128x128xi32>
    %and3A_533 = arith.andi %ge3A_531, %lt3A_532 : vector<128x128xi1>
    %convert_element_type3A_534 = arith.extui %not3A_499 : vector<1x128xi1> to vector<1x128xi32>
    %swap3A_535 = arith.constant 0 : index
    %swap3A_536 = arith.constant 0 : index
    %swap3A_537 = vector.load %arg9[%swap3A_535, %swap3A_536] : memref<1x128xi32, #tpu.memory_space<vmem>>, vector<1x128xi32>
    tpu.vector_store %arg9[%swap3A_535, %swap3A_536], %convert_element_type3A_534 {strides = array<i32>} : memref<1x128xi32, #tpu.memory_space<vmem>>, vector<1x128xi32>,
    %while3A_538 = arith.constant true
    %while3A_539 = scf.while (%while3A_1013 = %while3A_538) : (i1) -> i1 {
      scf.condition(%while3A_1013) %while3A_1013 : i1
    } do {
    ^bb0(%while3A_1013: i1):
      %get3A_1014 = arith.constant 0 : index
      %get3A_1015 = arith.constant 0 : index
      %get3A_1016 = vector.load %arg9[%get3A_1014, %get3A_1015] : memref<1x128xi32, #tpu.memory_space<vmem>>, vector<1x128xi32>
      %ne3A_1017 = arith.constant 0 : i32
      %ne3A_1018 = vector.broadcast %ne3A_1017 : i32 to vector<1x128xi32>
      %ne3A_1019 = arith.cmpi ne, %get3A_1016, %ne3A_1018 : vector<1x128xi32>
      %eq3A_1020 = arith.cmpi eq, %iota3A_33, %iota3A : vector<128x128xi32>
      %and3A_1021 = vector.broadcast %ne3A_1019 : vector<1x128xi1> to vector<128x128xi1>
      %and3A_1022 = arith.andi %eq3A_1020, %and3A_1021 : vector<128x128xi1>
      %reduce_or3A_1023 = arith.constant 1.000000e+00 : f32
      %reduce_or3A_1024 = arith.constant 0.000000e+00 : f32
      %reduce_or3A_1025 = vector.broadcast %reduce_or3A_1023 : f32 to vector<128x128xf32>
      %reduce_or3A_1026 = vector.broadcast %reduce_or3A_1024 : f32 to vector<128x128xf32>
      %reduce_or3A_1027 = arith.select %and3A_1022, %reduce_or3A_1025, %reduce_or3A_1026 : vector<128x128xi1>, vector<128x128xf32>
      %reduce_or3A_1028 = arith.constant dense<0xFF800000> : vector<128xf32>
      %reduce_or3A_1029 = vector.multi_reduction <maximumf>, %reduce_or3A_1027, %reduce_or3A_1028 [1] : vector<128x128xf32> to vector<128xf32>
      %reduce_or3A_1030 = arith.constant 0.000000e+00 : f32
      %reduce_or3A_1031 = vector.broadcast %reduce_or3A_1030 : f32 to vector<128xf32>
      %reduce_or3A_1032 = arith.cmpf ogt, %reduce_or3A_1029, %reduce_or3A_1031 : vector<128xf32>
      %broadcast_in_dim3A_1033 = vector.shape_cast %reduce_or3A_1032 : vector<128xi1> to vector<128x1xi1>
      %and3A_1034 = vector.broadcast %broadcast_in_dim3A_1033 : vector<128x1xi1> to vector<128x128xi1>
      %and3A_1035 = arith.andi %and3A_533, %and3A_1034 : vector<128x128xi1>
      %reduce_or3A_1036 = arith.constant 1.000000e+00 : f32
      %reduce_or3A_1037 = arith.constant 0.000000e+00 : f32
      %reduce_or3A_1038 = vector.broadcast %reduce_or3A_1036 : f32 to vector<128x128xf32>
      %reduce_or3A_1039 = vector.broadcast %reduce_or3A_1037 : f32 to vector<128x128xf32>
      %reduce_or3A_1040 = arith.select %and3A_1035, %reduce_or3A_1038, %reduce_or3A_1039 : vector<128x128xi1>, vector<128x128xf32>
      %reduce_or3A_1041 = arith.constant dense<0xFF800000> : vector<128xf32>
      %reduce_or3A_1042 = vector.multi_reduction <maximumf>, %reduce_or3A_1040, %reduce_or3A_1041 [0] : vector<128x128xf32> to vector<128xf32>
      %reduce_or3A_1043 = arith.constant 0.000000e+00 : f32
      %reduce_or3A_1044 = vector.broadcast %reduce_or3A_1043 : f32 to vector<128xf32>
      %reduce_or3A_1045 = arith.cmpf ogt, %reduce_or3A_1042, %reduce_or3A_1044 : vector<128xf32>
      %broadcast_in_dim3A_1046 = vector.shape_cast %reduce_or3A_1045 : vector<128xi1> to vector<1x128xi1>
      %not3A_1047 = arith.constant dense<true> : vector<1x128xi1>
      %not3A_1048 = arith.xori %broadcast_in_dim3A_1046, %not3A_1047 : vector<1x128xi1>
      %and3A_1049 = arith.andi %not3A_499, %not3A_1048 : vector<1x128xi1>
      %convert_element_type3A_1050 = arith.extui %and3A_1049 : vector<1x128xi1> to vector<1x128xi32>
      %swap3A_1051 = arith.constant 0 : index
      %swap3A_1052 = arith.constant 0 : index
      %swap3A_1053 = vector.load %arg9[%swap3A_1051, %swap3A_1052] : memref<1x128xi32, #tpu.memory_space<vmem>>, vector<1x128xi32>
      tpu.vector_store %arg9[%swap3A_1051, %swap3A_1052], %convert_element_type3A_1050 {strides = array<i32>} : memref<1x128xi32, #tpu.memory_space<vmem>>, vector<1x128xi32>,
      %ne3A_1054 = arith.xori %and3A_1049, %ne3A_1019 : vector<1x128xi1>
      %reduce_or3A_1055 = arith.constant 1.000000e+00 : f32
      %reduce_or3A_1056 = arith.constant 0.000000e+00 : f32
      %reduce_or3A_1057 = vector.broadcast %reduce_or3A_1055 : f32 to vector<1x128xf32>
      %reduce_or3A_1058 = vector.broadcast %reduce_or3A_1056 : f32 to vector<1x128xf32>
      %reduce_or3A_1059 = arith.select %ne3A_1054, %reduce_or3A_1057, %reduce_or3A_1058 : vector<1x128xi1>, vector<1x128xf32>
      %reduce_or3A_1060 = vector.shape_cast %reduce_or3A_1059 : vector<1x128xf32> to vector<1x1x128xf32>
      %reduce_or3A_1061 = arith.constant dense<0xFF800000> : vector<1xf32>
      %reduce_or3A_1062 = vector.multi_reduction <maximumf>, %reduce_or3A_1060, %reduce_or3A_1061 [1, 2] : vector<1x1x128xf32> to vector<1xf32>
      %reduce_or3A_1063 = vector.shape_cast %reduce_or3A_1062 : vector<1xf32> to vector<1x1x1xf32>
      %reduce_or3A_1064 = vector.extract %reduce_or3A_1063[0, 0, 0] : f32 from vector<1x1x1xf32>
      %reduce_or3A_1065 = arith.constant 0.000000e+00 : f32
      %reduce_or3A_1066 = arith.cmpf ogt, %reduce_or3A_1064, %reduce_or3A_1065 : f32
      scf.yield %reduce_or3A_1066 : i1
    }
    %get3A_540 = arith.constant 0 : index
    %get3A_541 = arith.constant 0 : index
    %get3A_542 = vector.load %arg9[%get3A_540, %get3A_541] : memref<1x128xi32, #tpu.memory_space<vmem>>, vector<1x128xi32>
    %ne3A_543 = arith.constant 0 : i32
    %ne3A_544 = vector.broadcast %ne3A_543 : i32 to vector<1x128xi32>
    %ne3A_545 = arith.cmpi ne, %get3A_542, %ne3A_544 : vector<1x128xi32>
    %convert_element_type3A_546 = arith.extui %ne3A_545 : vector<1x128xi1> to vector<1x128xi32>
    %convert_element_type3A_547 = arith.sitofp %convert_element_type3A_546 : vector<1x128xi32> to vector<1x128xf32>
    %eq3A_548 = arith.cmpi eq, %iota3A_33, %iota3A : vector<128x128xi32>
    %and3A_549 = vector.broadcast %ne3A_545 : vector<1x128xi1> to vector<128x128xi1>
    %and3A_550 = arith.andi %eq3A_548, %and3A_549 : vector<128x128xi1>
    %reduce_or3A_551 = arith.constant 1.000000e+00 : f32
    %reduce_or3A_552 = arith.constant 0.000000e+00 : f32
    %reduce_or3A_553 = vector.broadcast %reduce_or3A_551 : f32 to vector<128x128xf32>
    %reduce_or3A_554 = vector.broadcast %reduce_or3A_552 : f32 to vector<128x128xf32>
    %reduce_or3A_555 = arith.select %and3A_550, %reduce_or3A_553, %reduce_or3A_554 : vector<128x128xi1>, vector<128x128xf32>
    %reduce_or3A_556 = arith.constant dense<0xFF800000> : vector<128xf32>
    %reduce_or3A_557 = vector.multi_reduction <maximumf>, %reduce_or3A_555, %reduce_or3A_556 [1] : vector<128x128xf32> to vector<128xf32>
    %reduce_or3A_558 = arith.constant 0.000000e+00 : f32
    %reduce_or3A_559 = vector.broadcast %reduce_or3A_558 : f32 to vector<128xf32>
    %reduce_or3A_560 = arith.cmpf ogt, %reduce_or3A_557, %reduce_or3A_559 : vector<128xf32>
    %broadcast_in_dim3A_561 = vector.shape_cast %reduce_or3A_560 : vector<128xi1> to vector<128x1xi1>
    %dot_general3A_562 = arith.constant dense<0.000000e+00> : vector<1x128xf32>
    %dot_general3A_563 = tpu.matmul %convert_element_type3A_547, %convert_element_type3A_34, %dot_general3A_562 {dimension_numbers = #tpu.dot_dimension_numbers<[1], [0], [0], [1], [0, 0, 1, 1], [], []>, transpose_lhs_hint = false} : vector<1x128xf32>, vector<128x128xf32>, vector<1x128xf32> -> vector<1x128xf32>
    %convert_element_type3A_564 = arith.fptosi %dot_general3A_563 : vector<1x128xf32> to vector<1x128xi32>
    %eq3A_565 = vector.broadcast %convert_element_type3A_564 : vector<1x128xi32> to vector<128x128xi32>
    %eq3A_566 = arith.cmpi eq, %iota3A, %eq3A_565 : vector<128x128xi32>
    %and3A_567 = vector.broadcast %ne3A_545 : vector<1x128xi1> to vector<128x128xi1>
    %and3A_568 = arith.andi %eq3A_566, %and3A_567 : vector<128x128xi1>
    %convert_element_type3A_569 = arith.extui %and3A_568 : vector<128x128xi1> to vector<128x128xi32>
    %convert_element_type3A_570 = arith.sitofp %convert_element_type3A_569 : vector<128x128xi32> to vector<128x128xf32>
    %broadcast_in_dim3A_571 = arith.constant 0.000000e+00 : f32
    %broadcast_in_dim3A_572 = vector.broadcast %broadcast_in_dim3A_571 : f32 to vector<128x3xf32>
    %concatenate3A_573 = tpu.concatenate %get3A_384, %get3A_387, %get3A_390, %get3A_393, %get3A_396, %broadcast_in_dim3A_572 in 1 : vector<128x1xf32>, vector<128x1xf32>, vector<128x1xf32>, vector<128x1xf32>, vector<128x1xf32>, vector<128x3xf32> -> vector<128x8xf32>
    %dot_general3A_574 = arith.constant dense<0.000000e+00> : vector<128x8xf32>
    %dot_general3A_575 = tpu.matmul %convert_element_type3A_570, %concatenate3A_573, %dot_general3A_574 {dimension_numbers = #tpu.dot_dimension_numbers<[1], [0], [0], [1], [0, 0, 1, 1], [], []>, precision = #tpu.contract_precision<fp32>, transpose_lhs_hint = false} : vector<128x128xf32>, vector<128x8xf32>, vector<128x8xf32> -> vector<128x8xf32>
    %convert_element_type3A_576 = arith.extui %lt3A_381 : i1 to i32
    %cond3A_577 = arith.constant 0 : i32
    %cond3A_578 = arith.cmpi ne, %convert_element_type3A_576, %cond3A_577 : i32
    scf.if %cond3A_578 {
      %jit3A_1013 = arith.constant -1.000000e+09 : f32
      %broadcast_in_dim3A_1014 = vector.broadcast %jit3A_1013 : f32 to vector<128x1xf32>
      %select_n3A_1015 = arith.select %broadcast_in_dim3A_561, %get3A_384, %broadcast_in_dim3A_1014 : vector<128x1xi1>, vector<128x1xf32>
      %broadcast_in_dim3A_1016 = vector.shape_cast %select_n3A_1015 : vector<128x1xf32> to vector<128x1xf32>
      %broadcast_in_dim3A_1017 = vector.broadcast %broadcast_in_dim3A_1016 : vector<128x1xf32> to vector<128x128xf32>
      %swap3A_1018 = arith.constant 256 : index
      %swap3A_1019 = arith.constant 0 : index
      %swap3A_1020 = vector.load %arg3[%swap3A_1018, %swap3A_1019] : memref<640x128xf32, #tpu.memory_space<vmem>>, vector<128x128xf32>
      tpu.vector_store %arg3[%swap3A_1018, %swap3A_1019], %broadcast_in_dim3A_1017 {strides = array<i32>} : memref<640x128xf32, #tpu.memory_space<vmem>>, vector<128x128xf32>,
      %jit3A_1021 = arith.constant -1.000000e+09 : f32
      %broadcast_in_dim3A_1022 = vector.broadcast %jit3A_1021 : f32 to vector<128x1xf32>
      %select_n3A_1023 = arith.select %broadcast_in_dim3A_561, %get3A_387, %broadcast_in_dim3A_1022 : vector<128x1xi1>, vector<128x1xf32>
      %broadcast_in_dim3A_1024 = vector.shape_cast %select_n3A_1023 : vector<128x1xf32> to vector<128x1xf32>
      %broadcast_in_dim3A_1025 = vector.broadcast %broadcast_in_dim3A_1024 : vector<128x1xf32> to vector<128x128xf32>
      %swap3A_1026 = arith.constant 256 : index
      %swap3A_1027 = arith.constant 0 : index
      %swap3A_1028 = vector.load %arg4[%swap3A_1026, %swap3A_1027] : memref<640x128xf32, #tpu.memory_space<vmem>>, vector<128x128xf32>
      tpu.vector_store %arg4[%swap3A_1026, %swap3A_1027], %broadcast_in_dim3A_1025 {strides = array<i32>} : memref<640x128xf32, #tpu.memory_space<vmem>>, vector<128x128xf32>,
      %jit3A_1029 = arith.constant -1.000000e+09 : f32
      %broadcast_in_dim3A_1030 = vector.broadcast %jit3A_1029 : f32 to vector<128x1xf32>
      %select_n3A_1031 = arith.select %broadcast_in_dim3A_561, %get3A_390, %broadcast_in_dim3A_1030 : vector<128x1xi1>, vector<128x1xf32>
      %broadcast_in_dim3A_1032 = vector.shape_cast %select_n3A_1031 : vector<128x1xf32> to vector<128x1xf32>
      %broadcast_in_dim3A_1033 = vector.broadcast %broadcast_in_dim3A_1032 : vector<128x1xf32> to vector<128x128xf32>
      %swap3A_1034 = arith.constant 256 : index
      %swap3A_1035 = arith.constant 0 : index
      %swap3A_1036 = vector.load %arg5[%swap3A_1034, %swap3A_1035] : memref<640x128xf32, #tpu.memory_space<vmem>>, vector<128x128xf32>
      tpu.vector_store %arg5[%swap3A_1034, %swap3A_1035], %broadcast_in_dim3A_1033 {strides = array<i32>} : memref<640x128xf32, #tpu.memory_space<vmem>>, vector<128x128xf32>,
      %jit3A_1037 = arith.constant -1.000000e+09 : f32
      %broadcast_in_dim3A_1038 = vector.broadcast %jit3A_1037 : f32 to vector<128x1xf32>
      %select_n3A_1039 = arith.select %broadcast_in_dim3A_561, %get3A_393, %broadcast_in_dim3A_1038 : vector<128x1xi1>, vector<128x1xf32>
      %broadcast_in_dim3A_1040 = vector.shape_cast %select_n3A_1039 : vector<128x1xf32> to vector<128x1xf32>
      %broadcast_in_dim3A_1041 = vector.broadcast %broadcast_in_dim3A_1040 : vector<128x1xf32> to vector<128x128xf32>
      %swap3A_1042 = arith.constant 256 : index
      %swap3A_1043 = arith.constant 0 : index
      %swap3A_1044 = vector.load %arg6[%swap3A_1042, %swap3A_1043] : memref<640x128xf32, #tpu.memory_space<vmem>>, vector<128x128xf32>
      tpu.vector_store %arg6[%swap3A_1042, %swap3A_1043], %broadcast_in_dim3A_1041 {strides = array<i32>} : memref<640x128xf32, #tpu.memory_space<vmem>>, vector<128x128xf32>,
      %jit3A_1045 = arith.constant 0.000000e+00 : f32
      %broadcast_in_dim3A_1046 = vector.broadcast %jit3A_1045 : f32 to vector<128x1xf32>
      %select_n3A_1047 = arith.select %broadcast_in_dim3A_561, %mul3A_399, %broadcast_in_dim3A_1046 : vector<128x1xi1>, vector<128x1xf32>
      %broadcast_in_dim3A_1048 = vector.shape_cast %select_n3A_1047 : vector<128x1xf32> to vector<128x1xf32>
      %broadcast_in_dim3A_1049 = vector.broadcast %broadcast_in_dim3A_1048 : vector<128x1xf32> to vector<128x128xf32>
      %swap3A_1050 = arith.constant 256 : index
      %swap3A_1051 = arith.constant 0 : index
      %swap3A_1052 = vector.load %arg7[%swap3A_1050, %swap3A_1051] : memref<640x128xf32, #tpu.memory_space<vmem>>, vector<128x128xf32>
      tpu.vector_store %arg7[%swap3A_1050, %swap3A_1051], %broadcast_in_dim3A_1049 {strides = array<i32>} : memref<640x128xf32, #tpu.memory_space<vmem>>, vector<128x128xf32>,
      %swap3A_1053 = arith.index_cast %select_n3A_379 : i32 to index
      %swap3A_1054 = arith.constant 0 : index
      %swap3A_1055 = vector.load %arg8[%swap3A_1053, %swap3A_1054] : memref<640x8xf32, #tpu.memory_space<vmem>>, vector<128x8xf32>
      tpu.vector_store %arg8[%swap3A_1053, %swap3A_1054], %dot_general3A_575 {strides = array<i32>} : memref<640x8xf32, #tpu.memory_space<vmem>>, vector<128x8xf32>,
    } else {
    }
    %reduce_sum3A_579 = vector.shape_cast %convert_element_type3A_547 : vector<1x128xf32> to vector<1x1x128xf32>
    %reduce_sum3A_580 = arith.constant dense<0.000000e+00> : vector<1xf32>
    %reduce_sum3A_581 = vector.multi_reduction <add>, %reduce_sum3A_579, %reduce_sum3A_580 [1, 2] : vector<1x1x128xf32> to vector<1xf32>
    %reduce_sum3A_582 = vector.shape_cast %reduce_sum3A_581 : vector<1xf32> to vector<1x1x1xf32>
    %reduce_sum3A_583 = vector.extract %reduce_sum3A_582[0, 0, 0] : f32 from vector<1x1x1xf32>
    %convert_element_type3A_584 = arith.fptosi %reduce_sum3A_583 : f32 to i32
    %add3A_585 = arith.addi %select_n3A_379, %convert_element_type3A_584 : i32
    %select_n3A_586 = arith.select %lt3A_381, %add3A_585, %select_n3A_379 : i32
    %lt3A_587 = arith.constant 500 : i32
    %lt3A_588 = arith.cmpi slt, %select_n3A_586, %lt3A_587 : i32
    %get3A_589 = arith.constant 384 : index
    %get3A_590 = arith.constant 0 : index
    %get3A_591 = vector.load %arg0[%get3A_589, %get3A_590] : memref<640x5xf32, #tpu.memory_space<vmem>>, vector<128x1xf32>
    %get3A_592 = arith.constant 384 : index
    %get3A_593 = arith.constant 1 : index
    %get3A_594 = vector.load %arg0[%get3A_592, %get3A_593] : memref<640x5xf32, #tpu.memory_space<vmem>>, vector<128x1xf32>
    %get3A_595 = arith.constant 384 : index
    %get3A_596 = arith.constant 2 : index
    %get3A_597 = vector.load %arg0[%get3A_595, %get3A_596] : memref<640x5xf32, #tpu.memory_space<vmem>>, vector<128x1xf32>
    %get3A_598 = arith.constant 384 : index
    %get3A_599 = arith.constant 3 : index
    %get3A_600 = vector.load %arg0[%get3A_598, %get3A_599] : memref<640x5xf32, #tpu.memory_space<vmem>>, vector<128x1xf32>
    %get3A_601 = arith.constant 384 : index
    %get3A_602 = arith.constant 4 : index
    %get3A_603 = vector.load %arg0[%get3A_601, %get3A_602] : memref<640x5xf32, #tpu.memory_space<vmem>>, vector<128x1xf32>
    %sub3A_604 = arith.subf %get3A_597, %get3A_591 : vector<128x1xf32>
    %sub3A_605 = arith.subf %get3A_600, %get3A_594 : vector<128x1xf32>
    %mul3A_606 = arith.mulf %sub3A_604, %sub3A_605 : vector<128x1xf32>
    %eq3A_607 = arith.cmpi eq, %iota3A, %iota3A_33 : vector<128x128xi32>
    %jit3A_608 = arith.constant 0.000000e+00 : f32
    %broadcast_in_dim3A_609 = vector.shape_cast %get3A_591 : vector<128x1xf32> to vector<128x1xf32>
    %broadcast_in_dim3A_610 = vector.broadcast %broadcast_in_dim3A_609 : vector<128x1xf32> to vector<128x128xf32>
    %broadcast_in_dim3A_611 = vector.broadcast %jit3A_608 : f32 to vector<128x128xf32>
    %select_n3A_612 = arith.select %eq3A_607, %broadcast_in_dim3A_610, %broadcast_in_dim3A_611 : vector<128x128xi1>, vector<128x128xf32>
    %reduce_sum3A_613 = arith.constant dense<0.000000e+00> : vector<128xf32>
    %reduce_sum3A_614 = vector.multi_reduction <add>, %select_n3A_612, %reduce_sum3A_613 [0] : vector<128x128xf32> to vector<128xf32>
    %broadcast_in_dim3A_615 = vector.shape_cast %reduce_sum3A_614 : vector<128xf32> to vector<1x128xf32>
    %eq3A_616 = arith.cmpi eq, %iota3A, %iota3A_33 : vector<128x128xi32>
    %jit3A_617 = arith.constant 0.000000e+00 : f32
    %broadcast_in_dim3A_618 = vector.shape_cast %get3A_594 : vector<128x1xf32> to vector<128x1xf32>
    %broadcast_in_dim3A_619 = vector.broadcast %broadcast_in_dim3A_618 : vector<128x1xf32> to vector<128x128xf32>
    %broadcast_in_dim3A_620 = vector.broadcast %jit3A_617 : f32 to vector<128x128xf32>
    %select_n3A_621 = arith.select %eq3A_616, %broadcast_in_dim3A_619, %broadcast_in_dim3A_620 : vector<128x128xi1>, vector<128x128xf32>
    %reduce_sum3A_622 = arith.constant dense<0.000000e+00> : vector<128xf32>
    %reduce_sum3A_623 = vector.multi_reduction <add>, %select_n3A_621, %reduce_sum3A_622 [0] : vector<128x128xf32> to vector<128xf32>
    %broadcast_in_dim3A_624 = vector.shape_cast %reduce_sum3A_623 : vector<128xf32> to vector<1x128xf32>
    %eq3A_625 = arith.cmpi eq, %iota3A, %iota3A_33 : vector<128x128xi32>
    %jit3A_626 = arith.constant 0.000000e+00 : f32
    %broadcast_in_dim3A_627 = vector.shape_cast %get3A_597 : vector<128x1xf32> to vector<128x1xf32>
    %broadcast_in_dim3A_628 = vector.broadcast %broadcast_in_dim3A_627 : vector<128x1xf32> to vector<128x128xf32>
    %broadcast_in_dim3A_629 = vector.broadcast %jit3A_626 : f32 to vector<128x128xf32>
    %select_n3A_630 = arith.select %eq3A_625, %broadcast_in_dim3A_628, %broadcast_in_dim3A_629 : vector<128x128xi1>, vector<128x128xf32>
    %reduce_sum3A_631 = arith.constant dense<0.000000e+00> : vector<128xf32>
    %reduce_sum3A_632 = vector.multi_reduction <add>, %select_n3A_630, %reduce_sum3A_631 [0] : vector<128x128xf32> to vector<128xf32>
    %broadcast_in_dim3A_633 = vector.shape_cast %reduce_sum3A_632 : vector<128xf32> to vector<1x128xf32>
    %eq3A_634 = arith.cmpi eq, %iota3A, %iota3A_33 : vector<128x128xi32>
    %jit3A_635 = arith.constant 0.000000e+00 : f32
    %broadcast_in_dim3A_636 = vector.shape_cast %get3A_600 : vector<128x1xf32> to vector<128x1xf32>
    %broadcast_in_dim3A_637 = vector.broadcast %broadcast_in_dim3A_636 : vector<128x1xf32> to vector<128x128xf32>
    %broadcast_in_dim3A_638 = vector.broadcast %jit3A_635 : f32 to vector<128x128xf32>
    %select_n3A_639 = arith.select %eq3A_634, %broadcast_in_dim3A_637, %broadcast_in_dim3A_638 : vector<128x128xi1>, vector<128x128xf32>
    %reduce_sum3A_640 = arith.constant dense<0.000000e+00> : vector<128xf32>
    %reduce_sum3A_641 = vector.multi_reduction <add>, %select_n3A_639, %reduce_sum3A_640 [0] : vector<128x128xf32> to vector<128xf32>
    %broadcast_in_dim3A_642 = vector.shape_cast %reduce_sum3A_641 : vector<128xf32> to vector<1x128xf32>
    %eq3A_643 = arith.cmpi eq, %iota3A, %iota3A_33 : vector<128x128xi32>
    %jit3A_644 = arith.constant 0.000000e+00 : f32
    %broadcast_in_dim3A_645 = vector.shape_cast %mul3A_606 : vector<128x1xf32> to vector<128x1xf32>
    %broadcast_in_dim3A_646 = vector.broadcast %broadcast_in_dim3A_645 : vector<128x1xf32> to vector<128x128xf32>
    %broadcast_in_dim3A_647 = vector.broadcast %jit3A_644 : f32 to vector<128x128xf32>
    %select_n3A_648 = arith.select %eq3A_643, %broadcast_in_dim3A_646, %broadcast_in_dim3A_647 : vector<128x128xi1>, vector<128x128xf32>
    %reduce_sum3A_649 = arith.constant dense<0.000000e+00> : vector<128xf32>
    %reduce_sum3A_650 = vector.multi_reduction <add>, %select_n3A_648, %reduce_sum3A_649 [0] : vector<128x128xf32> to vector<128xf32>
    %broadcast_in_dim3A_651 = vector.shape_cast %reduce_sum3A_650 : vector<128xf32> to vector<1x128xf32>
    %get3A_652 = arith.constant 0 : index
    %get3A_653 = arith.constant 0 : index
    %get3A_654 = vector.load %arg3[%get3A_652, %get3A_653] : memref<640x128xf32, #tpu.memory_space<vmem>>, vector<384x128xf32>
    %max3A_655 = vector.broadcast %broadcast_in_dim3A_615 : vector<1x128xf32> to vector<384x128xf32>
    %max3A_656 = arith.maximumf %get3A_654, %max3A_655 : vector<384x128xf32>
    %get3A_657 = arith.constant 0 : index
    %get3A_658 = arith.constant 0 : index
    %get3A_659 = vector.load %arg4[%get3A_657, %get3A_658] : memref<640x128xf32, #tpu.memory_space<vmem>>, vector<384x128xf32>
    %max3A_660 = vector.broadcast %broadcast_in_dim3A_624 : vector<1x128xf32> to vector<384x128xf32>
    %max3A_661 = arith.maximumf %get3A_659, %max3A_660 : vector<384x128xf32>
    %get3A_662 = arith.constant 0 : index
    %get3A_663 = arith.constant 0 : index
    %get3A_664 = vector.load %arg5[%get3A_662, %get3A_663] : memref<640x128xf32, #tpu.memory_space<vmem>>, vector<384x128xf32>
    %min3A_665 = vector.broadcast %broadcast_in_dim3A_633 : vector<1x128xf32> to vector<384x128xf32>
    %min3A_666 = arith.minimumf %get3A_664, %min3A_665 : vector<384x128xf32>
    %get3A_667 = arith.constant 0 : index
    %get3A_668 = arith.constant 0 : index
    %get3A_669 = vector.load %arg6[%get3A_667, %get3A_668] : memref<640x128xf32, #tpu.memory_space<vmem>>, vector<384x128xf32>
    %min3A_670 = vector.broadcast %broadcast_in_dim3A_642 : vector<1x128xf32> to vector<384x128xf32>
    %min3A_671 = arith.minimumf %get3A_669, %min3A_670 : vector<384x128xf32>
    %sub3A_672 = arith.subf %min3A_666, %max3A_656 : vector<384x128xf32>
    %max3A_673 = arith.constant 0.000000e+00 : f32
    %max3A_674 = vector.broadcast %max3A_673 : f32 to vector<384x128xf32>
    %max3A_675 = arith.maximumf %sub3A_672, %max3A_674 : vector<384x128xf32>
    %sub3A_676 = arith.subf %min3A_671, %max3A_661 : vector<384x128xf32>
    %max3A_677 = arith.constant 0.000000e+00 : f32
    %max3A_678 = vector.broadcast %max3A_677 : f32 to vector<384x128xf32>
    %max3A_679 = arith.maximumf %sub3A_676, %max3A_678 : vector<384x128xf32>
    %mul3A_680 = arith.mulf %max3A_675, %max3A_679 : vector<384x128xf32>
    %get3A_681 = arith.constant 0 : index
    %get3A_682 = arith.constant 0 : index
    %get3A_683 = vector.load %arg7[%get3A_681, %get3A_682] : memref<640x128xf32, #tpu.memory_space<vmem>>, vector<384x128xf32>
    %add3A_684 = vector.broadcast %broadcast_in_dim3A_651 : vector<1x128xf32> to vector<384x128xf32>
    %add3A_685 = arith.addf %add3A_684, %get3A_683 : vector<384x128xf32>
    %sub3A_686 = arith.subf %add3A_685, %mul3A_680 : vector<384x128xf32>
    %add3A_687 = arith.constant 9.99999997E-7 : f32
    %add3A_688 = vector.broadcast %add3A_687 : f32 to vector<384x128xf32>
    %add3A_689 = arith.addf %sub3A_686, %add3A_688 : vector<384x128xf32>
    %div3A_690 = arith.divf %mul3A_680, %add3A_689 : vector<384x128xf32>
    %ge3A_691 = arith.constant 5.000000e-01 : f32
    %ge3A_692 = vector.broadcast %ge3A_691 : f32 to vector<384x128xf32>
    %ge3A_693 = arith.cmpf oge, %div3A_690, %ge3A_692 : vector<384x128xf32>
    %reduce_or3A_694 = arith.constant 1.000000e+00 : f32
    %reduce_or3A_695 = arith.constant 0.000000e+00 : f32
    %reduce_or3A_696 = vector.broadcast %reduce_or3A_694 : f32 to vector<384x128xf32>
    %reduce_or3A_697 = vector.broadcast %reduce_or3A_695 : f32 to vector<384x128xf32>
    %reduce_or3A_698 = arith.select %ge3A_693, %reduce_or3A_696, %reduce_or3A_697 : vector<384x128xi1>, vector<384x128xf32>
    %reduce_or3A_699 = arith.constant dense<0xFF800000> : vector<128xf32>
    %reduce_or3A_700 = vector.multi_reduction <maximumf>, %reduce_or3A_698, %reduce_or3A_699 [0] : vector<384x128xf32> to vector<128xf32>
    %reduce_or3A_701 = arith.constant 0.000000e+00 : f32
    %reduce_or3A_702 = vector.broadcast %reduce_or3A_701 : f32 to vector<128xf32>
    %reduce_or3A_703 = arith.cmpf ogt, %reduce_or3A_700, %reduce_or3A_702 : vector<128xf32>
    %broadcast_in_dim3A_704 = vector.shape_cast %reduce_or3A_703 : vector<128xi1> to vector<1x128xi1>
    %not3A_705 = arith.constant dense<true> : vector<1x128xi1>
    %not3A_706 = arith.xori %broadcast_in_dim3A_704, %not3A_705 : vector<1x128xi1>
    %max3A_707 = vector.broadcast %get3A_591 : vector<128x1xf32> to vector<128x128xf32>
    %max3A_708 = vector.broadcast %broadcast_in_dim3A_615 : vector<1x128xf32> to vector<128x128xf32>
    %max3A_709 = arith.maximumf %max3A_707, %max3A_708 : vector<128x128xf32>
    %max3A_710 = vector.broadcast %get3A_594 : vector<128x1xf32> to vector<128x128xf32>
    %max3A_711 = vector.broadcast %broadcast_in_dim3A_624 : vector<1x128xf32> to vector<128x128xf32>
    %max3A_712 = arith.maximumf %max3A_710, %max3A_711 : vector<128x128xf32>
    %min3A_713 = vector.broadcast %get3A_597 : vector<128x1xf32> to vector<128x128xf32>
    %min3A_714 = vector.broadcast %broadcast_in_dim3A_633 : vector<1x128xf32> to vector<128x128xf32>
    %min3A_715 = arith.minimumf %min3A_713, %min3A_714 : vector<128x128xf32>
    %min3A_716 = vector.broadcast %get3A_600 : vector<128x1xf32> to vector<128x128xf32>
    %min3A_717 = vector.broadcast %broadcast_in_dim3A_642 : vector<1x128xf32> to vector<128x128xf32>
    %min3A_718 = arith.minimumf %min3A_716, %min3A_717 : vector<128x128xf32>
    %sub3A_719 = arith.subf %min3A_715, %max3A_709 : vector<128x128xf32>
    %max3A_720 = arith.constant 0.000000e+00 : f32
    %max3A_721 = vector.broadcast %max3A_720 : f32 to vector<128x128xf32>
    %max3A_722 = arith.maximumf %sub3A_719, %max3A_721 : vector<128x128xf32>
    %sub3A_723 = arith.subf %min3A_718, %max3A_712 : vector<128x128xf32>
    %max3A_724 = arith.constant 0.000000e+00 : f32
    %max3A_725 = vector.broadcast %max3A_724 : f32 to vector<128x128xf32>
    %max3A_726 = arith.maximumf %sub3A_723, %max3A_725 : vector<128x128xf32>
    %mul3A_727 = arith.mulf %max3A_722, %max3A_726 : vector<128x128xf32>
    %add3A_728 = vector.broadcast %mul3A_606 : vector<128x1xf32> to vector<128x128xf32>
    %add3A_729 = vector.broadcast %broadcast_in_dim3A_651 : vector<1x128xf32> to vector<128x128xf32>
    %add3A_730 = arith.addf %add3A_728, %add3A_729 : vector<128x128xf32>
    %sub3A_731 = arith.subf %add3A_730, %mul3A_727 : vector<128x128xf32>
    %add3A_732 = arith.constant 9.99999997E-7 : f32
    %add3A_733 = vector.broadcast %add3A_732 : f32 to vector<128x128xf32>
    %add3A_734 = arith.addf %sub3A_731, %add3A_733 : vector<128x128xf32>
    %div3A_735 = arith.divf %mul3A_727, %add3A_734 : vector<128x128xf32>
    %ge3A_736 = arith.constant 5.000000e-01 : f32
    %ge3A_737 = vector.broadcast %ge3A_736 : f32 to vector<128x128xf32>
    %ge3A_738 = arith.cmpf oge, %div3A_735, %ge3A_737 : vector<128x128xf32>
    %lt3A_739 = arith.cmpi slt, %iota3A, %iota3A_33 : vector<128x128xi32>
    %and3A_740 = arith.andi %ge3A_738, %lt3A_739 : vector<128x128xi1>
    %convert_element_type3A_741 = arith.extui %not3A_706 : vector<1x128xi1> to vector<1x128xi32>
    %swap3A_742 = arith.constant 0 : index
    %swap3A_743 = arith.constant 0 : index
    %swap3A_744 = vector.load %arg9[%swap3A_742, %swap3A_743] : memref<1x128xi32, #tpu.memory_space<vmem>>, vector<1x128xi32>
    tpu.vector_store %arg9[%swap3A_742, %swap3A_743], %convert_element_type3A_741 {strides = array<i32>} : memref<1x128xi32, #tpu.memory_space<vmem>>, vector<1x128xi32>,
    %while3A_745 = arith.constant true
    %while3A_746 = scf.while (%while3A_1013 = %while3A_745) : (i1) -> i1 {
      scf.condition(%while3A_1013) %while3A_1013 : i1
    } do {
    ^bb0(%while3A_1013: i1):
      %get3A_1014 = arith.constant 0 : index
      %get3A_1015 = arith.constant 0 : index
      %get3A_1016 = vector.load %arg9[%get3A_1014, %get3A_1015] : memref<1x128xi32, #tpu.memory_space<vmem>>, vector<1x128xi32>
      %ne3A_1017 = arith.constant 0 : i32
      %ne3A_1018 = vector.broadcast %ne3A_1017 : i32 to vector<1x128xi32>
      %ne3A_1019 = arith.cmpi ne, %get3A_1016, %ne3A_1018 : vector<1x128xi32>
      %eq3A_1020 = arith.cmpi eq, %iota3A_33, %iota3A : vector<128x128xi32>
      %and3A_1021 = vector.broadcast %ne3A_1019 : vector<1x128xi1> to vector<128x128xi1>
      %and3A_1022 = arith.andi %eq3A_1020, %and3A_1021 : vector<128x128xi1>
      %reduce_or3A_1023 = arith.constant 1.000000e+00 : f32
      %reduce_or3A_1024 = arith.constant 0.000000e+00 : f32
      %reduce_or3A_1025 = vector.broadcast %reduce_or3A_1023 : f32 to vector<128x128xf32>
      %reduce_or3A_1026 = vector.broadcast %reduce_or3A_1024 : f32 to vector<128x128xf32>
      %reduce_or3A_1027 = arith.select %and3A_1022, %reduce_or3A_1025, %reduce_or3A_1026 : vector<128x128xi1>, vector<128x128xf32>
      %reduce_or3A_1028 = arith.constant dense<0xFF800000> : vector<128xf32>
      %reduce_or3A_1029 = vector.multi_reduction <maximumf>, %reduce_or3A_1027, %reduce_or3A_1028 [1] : vector<128x128xf32> to vector<128xf32>
      %reduce_or3A_1030 = arith.constant 0.000000e+00 : f32
      %reduce_or3A_1031 = vector.broadcast %reduce_or3A_1030 : f32 to vector<128xf32>
      %reduce_or3A_1032 = arith.cmpf ogt, %reduce_or3A_1029, %reduce_or3A_1031 : vector<128xf32>
      %broadcast_in_dim3A_1033 = vector.shape_cast %reduce_or3A_1032 : vector<128xi1> to vector<128x1xi1>
      %and3A_1034 = vector.broadcast %broadcast_in_dim3A_1033 : vector<128x1xi1> to vector<128x128xi1>
      %and3A_1035 = arith.andi %and3A_740, %and3A_1034 : vector<128x128xi1>
      %reduce_or3A_1036 = arith.constant 1.000000e+00 : f32
      %reduce_or3A_1037 = arith.constant 0.000000e+00 : f32
      %reduce_or3A_1038 = vector.broadcast %reduce_or3A_1036 : f32 to vector<128x128xf32>
      %reduce_or3A_1039 = vector.broadcast %reduce_or3A_1037 : f32 to vector<128x128xf32>
      %reduce_or3A_1040 = arith.select %and3A_1035, %reduce_or3A_1038, %reduce_or3A_1039 : vector<128x128xi1>, vector<128x128xf32>
      %reduce_or3A_1041 = arith.constant dense<0xFF800000> : vector<128xf32>
      %reduce_or3A_1042 = vector.multi_reduction <maximumf>, %reduce_or3A_1040, %reduce_or3A_1041 [0] : vector<128x128xf32> to vector<128xf32>
      %reduce_or3A_1043 = arith.constant 0.000000e+00 : f32
      %reduce_or3A_1044 = vector.broadcast %reduce_or3A_1043 : f32 to vector<128xf32>
      %reduce_or3A_1045 = arith.cmpf ogt, %reduce_or3A_1042, %reduce_or3A_1044 : vector<128xf32>
      %broadcast_in_dim3A_1046 = vector.shape_cast %reduce_or3A_1045 : vector<128xi1> to vector<1x128xi1>
      %not3A_1047 = arith.constant dense<true> : vector<1x128xi1>
      %not3A_1048 = arith.xori %broadcast_in_dim3A_1046, %not3A_1047 : vector<1x128xi1>
      %and3A_1049 = arith.andi %not3A_706, %not3A_1048 : vector<1x128xi1>
      %convert_element_type3A_1050 = arith.extui %and3A_1049 : vector<1x128xi1> to vector<1x128xi32>
      %swap3A_1051 = arith.constant 0 : index
      %swap3A_1052 = arith.constant 0 : index
      %swap3A_1053 = vector.load %arg9[%swap3A_1051, %swap3A_1052] : memref<1x128xi32, #tpu.memory_space<vmem>>, vector<1x128xi32>
      tpu.vector_store %arg9[%swap3A_1051, %swap3A_1052], %convert_element_type3A_1050 {strides = array<i32>} : memref<1x128xi32, #tpu.memory_space<vmem>>, vector<1x128xi32>,
      %ne3A_1054 = arith.xori %and3A_1049, %ne3A_1019 : vector<1x128xi1>
      %reduce_or3A_1055 = arith.constant 1.000000e+00 : f32
      %reduce_or3A_1056 = arith.constant 0.000000e+00 : f32
      %reduce_or3A_1057 = vector.broadcast %reduce_or3A_1055 : f32 to vector<1x128xf32>
      %reduce_or3A_1058 = vector.broadcast %reduce_or3A_1056 : f32 to vector<1x128xf32>
      %reduce_or3A_1059 = arith.select %ne3A_1054, %reduce_or3A_1057, %reduce_or3A_1058 : vector<1x128xi1>, vector<1x128xf32>
      %reduce_or3A_1060 = vector.shape_cast %reduce_or3A_1059 : vector<1x128xf32> to vector<1x1x128xf32>
      %reduce_or3A_1061 = arith.constant dense<0xFF800000> : vector<1xf32>
      %reduce_or3A_1062 = vector.multi_reduction <maximumf>, %reduce_or3A_1060, %reduce_or3A_1061 [1, 2] : vector<1x1x128xf32> to vector<1xf32>
      %reduce_or3A_1063 = vector.shape_cast %reduce_or3A_1062 : vector<1xf32> to vector<1x1x1xf32>
      %reduce_or3A_1064 = vector.extract %reduce_or3A_1063[0, 0, 0] : f32 from vector<1x1x1xf32>
      %reduce_or3A_1065 = arith.constant 0.000000e+00 : f32
      %reduce_or3A_1066 = arith.cmpf ogt, %reduce_or3A_1064, %reduce_or3A_1065 : f32
      scf.yield %reduce_or3A_1066 : i1
    }
    %get3A_747 = arith.constant 0 : index
    %get3A_748 = arith.constant 0 : index
    %get3A_749 = vector.load %arg9[%get3A_747, %get3A_748] : memref<1x128xi32, #tpu.memory_space<vmem>>, vector<1x128xi32>
    %ne3A_750 = arith.constant 0 : i32
    %ne3A_751 = vector.broadcast %ne3A_750 : i32 to vector<1x128xi32>
    %ne3A_752 = arith.cmpi ne, %get3A_749, %ne3A_751 : vector<1x128xi32>
    %convert_element_type3A_753 = arith.extui %ne3A_752 : vector<1x128xi1> to vector<1x128xi32>
    %convert_element_type3A_754 = arith.sitofp %convert_element_type3A_753 : vector<1x128xi32> to vector<1x128xf32>
    %eq3A_755 = arith.cmpi eq, %iota3A_33, %iota3A : vector<128x128xi32>
    %and3A_756 = vector.broadcast %ne3A_752 : vector<1x128xi1> to vector<128x128xi1>
    %and3A_757 = arith.andi %eq3A_755, %and3A_756 : vector<128x128xi1>
    %reduce_or3A_758 = arith.constant 1.000000e+00 : f32
    %reduce_or3A_759 = arith.constant 0.000000e+00 : f32
    %reduce_or3A_760 = vector.broadcast %reduce_or3A_758 : f32 to vector<128x128xf32>
    %reduce_or3A_761 = vector.broadcast %reduce_or3A_759 : f32 to vector<128x128xf32>
    %reduce_or3A_762 = arith.select %and3A_757, %reduce_or3A_760, %reduce_or3A_761 : vector<128x128xi1>, vector<128x128xf32>
    %reduce_or3A_763 = arith.constant dense<0xFF800000> : vector<128xf32>
    %reduce_or3A_764 = vector.multi_reduction <maximumf>, %reduce_or3A_762, %reduce_or3A_763 [1] : vector<128x128xf32> to vector<128xf32>
    %reduce_or3A_765 = arith.constant 0.000000e+00 : f32
    %reduce_or3A_766 = vector.broadcast %reduce_or3A_765 : f32 to vector<128xf32>
    %reduce_or3A_767 = arith.cmpf ogt, %reduce_or3A_764, %reduce_or3A_766 : vector<128xf32>
    %broadcast_in_dim3A_768 = vector.shape_cast %reduce_or3A_767 : vector<128xi1> to vector<128x1xi1>
    %dot_general3A_769 = arith.constant dense<0.000000e+00> : vector<1x128xf32>
    %dot_general3A_770 = tpu.matmul %convert_element_type3A_754, %convert_element_type3A_34, %dot_general3A_769 {dimension_numbers = #tpu.dot_dimension_numbers<[1], [0], [0], [1], [0, 0, 1, 1], [], []>, transpose_lhs_hint = false} : vector<1x128xf32>, vector<128x128xf32>, vector<1x128xf32> -> vector<1x128xf32>
    %convert_element_type3A_771 = arith.fptosi %dot_general3A_770 : vector<1x128xf32> to vector<1x128xi32>
    %eq3A_772 = vector.broadcast %convert_element_type3A_771 : vector<1x128xi32> to vector<128x128xi32>
    %eq3A_773 = arith.cmpi eq, %iota3A, %eq3A_772 : vector<128x128xi32>
    %and3A_774 = vector.broadcast %ne3A_752 : vector<1x128xi1> to vector<128x128xi1>
    %and3A_775 = arith.andi %eq3A_773, %and3A_774 : vector<128x128xi1>
    %convert_element_type3A_776 = arith.extui %and3A_775 : vector<128x128xi1> to vector<128x128xi32>
    %convert_element_type3A_777 = arith.sitofp %convert_element_type3A_776 : vector<128x128xi32> to vector<128x128xf32>
    %broadcast_in_dim3A_778 = arith.constant 0.000000e+00 : f32
    %broadcast_in_dim3A_779 = vector.broadcast %broadcast_in_dim3A_778 : f32 to vector<128x3xf32>
    %concatenate3A_780 = tpu.concatenate %get3A_591, %get3A_594, %get3A_597, %get3A_600, %get3A_603, %broadcast_in_dim3A_779 in 1 : vector<128x1xf32>, vector<128x1xf32>, vector<128x1xf32>, vector<128x1xf32>, vector<128x1xf32>, vector<128x3xf32> -> vector<128x8xf32>
    %dot_general3A_781 = arith.constant dense<0.000000e+00> : vector<128x8xf32>
    %dot_general3A_782 = tpu.matmul %convert_element_type3A_777, %concatenate3A_780, %dot_general3A_781 {dimension_numbers = #tpu.dot_dimension_numbers<[1], [0], [0], [1], [0, 0, 1, 1], [], []>, precision = #tpu.contract_precision<fp32>, transpose_lhs_hint = false} : vector<128x128xf32>, vector<128x8xf32>, vector<128x8xf32> -> vector<128x8xf32>
    %convert_element_type3A_783 = arith.extui %lt3A_588 : i1 to i32
    %cond3A_784 = arith.constant 0 : i32
    %cond3A_785 = arith.cmpi ne, %convert_element_type3A_783, %cond3A_784 : i32
    scf.if %cond3A_785 {
      %jit3A_1013 = arith.constant -1.000000e+09 : f32
      %broadcast_in_dim3A_1014 = vector.broadcast %jit3A_1013 : f32 to vector<128x1xf32>
      %select_n3A_1015 = arith.select %broadcast_in_dim3A_768, %get3A_591, %broadcast_in_dim3A_1014 : vector<128x1xi1>, vector<128x1xf32>
      %broadcast_in_dim3A_1016 = vector.shape_cast %select_n3A_1015 : vector<128x1xf32> to vector<128x1xf32>
      %broadcast_in_dim3A_1017 = vector.broadcast %broadcast_in_dim3A_1016 : vector<128x1xf32> to vector<128x128xf32>
      %swap3A_1018 = arith.constant 384 : index
      %swap3A_1019 = arith.constant 0 : index
      %swap3A_1020 = vector.load %arg3[%swap3A_1018, %swap3A_1019] : memref<640x128xf32, #tpu.memory_space<vmem>>, vector<128x128xf32>
      tpu.vector_store %arg3[%swap3A_1018, %swap3A_1019], %broadcast_in_dim3A_1017 {strides = array<i32>} : memref<640x128xf32, #tpu.memory_space<vmem>>, vector<128x128xf32>,
      %jit3A_1021 = arith.constant -1.000000e+09 : f32
      %broadcast_in_dim3A_1022 = vector.broadcast %jit3A_1021 : f32 to vector<128x1xf32>
      %select_n3A_1023 = arith.select %broadcast_in_dim3A_768, %get3A_594, %broadcast_in_dim3A_1022 : vector<128x1xi1>, vector<128x1xf32>
      %broadcast_in_dim3A_1024 = vector.shape_cast %select_n3A_1023 : vector<128x1xf32> to vector<128x1xf32>
      %broadcast_in_dim3A_1025 = vector.broadcast %broadcast_in_dim3A_1024 : vector<128x1xf32> to vector<128x128xf32>
      %swap3A_1026 = arith.constant 384 : index
      %swap3A_1027 = arith.constant 0 : index
      %swap3A_1028 = vector.load %arg4[%swap3A_1026, %swap3A_1027] : memref<640x128xf32, #tpu.memory_space<vmem>>, vector<128x128xf32>
      tpu.vector_store %arg4[%swap3A_1026, %swap3A_1027], %broadcast_in_dim3A_1025 {strides = array<i32>} : memref<640x128xf32, #tpu.memory_space<vmem>>, vector<128x128xf32>,
      %jit3A_1029 = arith.constant -1.000000e+09 : f32
      %broadcast_in_dim3A_1030 = vector.broadcast %jit3A_1029 : f32 to vector<128x1xf32>
      %select_n3A_1031 = arith.select %broadcast_in_dim3A_768, %get3A_597, %broadcast_in_dim3A_1030 : vector<128x1xi1>, vector<128x1xf32>
      %broadcast_in_dim3A_1032 = vector.shape_cast %select_n3A_1031 : vector<128x1xf32> to vector<128x1xf32>
      %broadcast_in_dim3A_1033 = vector.broadcast %broadcast_in_dim3A_1032 : vector<128x1xf32> to vector<128x128xf32>
      %swap3A_1034 = arith.constant 384 : index
      %swap3A_1035 = arith.constant 0 : index
      %swap3A_1036 = vector.load %arg5[%swap3A_1034, %swap3A_1035] : memref<640x128xf32, #tpu.memory_space<vmem>>, vector<128x128xf32>
      tpu.vector_store %arg5[%swap3A_1034, %swap3A_1035], %broadcast_in_dim3A_1033 {strides = array<i32>} : memref<640x128xf32, #tpu.memory_space<vmem>>, vector<128x128xf32>,
      %jit3A_1037 = arith.constant -1.000000e+09 : f32
      %broadcast_in_dim3A_1038 = vector.broadcast %jit3A_1037 : f32 to vector<128x1xf32>
      %select_n3A_1039 = arith.select %broadcast_in_dim3A_768, %get3A_600, %broadcast_in_dim3A_1038 : vector<128x1xi1>, vector<128x1xf32>
      %broadcast_in_dim3A_1040 = vector.shape_cast %select_n3A_1039 : vector<128x1xf32> to vector<128x1xf32>
      %broadcast_in_dim3A_1041 = vector.broadcast %broadcast_in_dim3A_1040 : vector<128x1xf32> to vector<128x128xf32>
      %swap3A_1042 = arith.constant 384 : index
      %swap3A_1043 = arith.constant 0 : index
      %swap3A_1044 = vector.load %arg6[%swap3A_1042, %swap3A_1043] : memref<640x128xf32, #tpu.memory_space<vmem>>, vector<128x128xf32>
      tpu.vector_store %arg6[%swap3A_1042, %swap3A_1043], %broadcast_in_dim3A_1041 {strides = array<i32>} : memref<640x128xf32, #tpu.memory_space<vmem>>, vector<128x128xf32>,
      %jit3A_1045 = arith.constant 0.000000e+00 : f32
      %broadcast_in_dim3A_1046 = vector.broadcast %jit3A_1045 : f32 to vector<128x1xf32>
      %select_n3A_1047 = arith.select %broadcast_in_dim3A_768, %mul3A_606, %broadcast_in_dim3A_1046 : vector<128x1xi1>, vector<128x1xf32>
      %broadcast_in_dim3A_1048 = vector.shape_cast %select_n3A_1047 : vector<128x1xf32> to vector<128x1xf32>
      %broadcast_in_dim3A_1049 = vector.broadcast %broadcast_in_dim3A_1048 : vector<128x1xf32> to vector<128x128xf32>
      %swap3A_1050 = arith.constant 384 : index
      %swap3A_1051 = arith.constant 0 : index
      %swap3A_1052 = vector.load %arg7[%swap3A_1050, %swap3A_1051] : memref<640x128xf32, #tpu.memory_space<vmem>>, vector<128x128xf32>
      tpu.vector_store %arg7[%swap3A_1050, %swap3A_1051], %broadcast_in_dim3A_1049 {strides = array<i32>} : memref<640x128xf32, #tpu.memory_space<vmem>>, vector<128x128xf32>,
      %swap3A_1053 = arith.index_cast %select_n3A_586 : i32 to index
      %swap3A_1054 = arith.constant 0 : index
      %swap3A_1055 = vector.load %arg8[%swap3A_1053, %swap3A_1054] : memref<640x8xf32, #tpu.memory_space<vmem>>, vector<128x8xf32>
      tpu.vector_store %arg8[%swap3A_1053, %swap3A_1054], %dot_general3A_782 {strides = array<i32>} : memref<640x8xf32, #tpu.memory_space<vmem>>, vector<128x8xf32>,
    } else {
    }
    %reduce_sum3A_786 = vector.shape_cast %convert_element_type3A_754 : vector<1x128xf32> to vector<1x1x128xf32>
    %reduce_sum3A_787 = arith.constant dense<0.000000e+00> : vector<1xf32>
    %reduce_sum3A_788 = vector.multi_reduction <add>, %reduce_sum3A_786, %reduce_sum3A_787 [1, 2] : vector<1x1x128xf32> to vector<1xf32>
    %reduce_sum3A_789 = vector.shape_cast %reduce_sum3A_788 : vector<1xf32> to vector<1x1x1xf32>
    %reduce_sum3A_790 = vector.extract %reduce_sum3A_789[0, 0, 0] : f32 from vector<1x1x1xf32>
    %convert_element_type3A_791 = arith.fptosi %reduce_sum3A_790 : f32 to i32
    %add3A_792 = arith.addi %select_n3A_586, %convert_element_type3A_791 : i32
    %select_n3A_793 = arith.select %lt3A_588, %add3A_792, %select_n3A_586 : i32
    %lt3A_794 = arith.constant 500 : i32
    %lt3A_795 = arith.cmpi slt, %select_n3A_793, %lt3A_794 : i32
    %get3A_796 = arith.constant 512 : index
    %get3A_797 = arith.constant 0 : index
    %get3A_798 = vector.load %arg0[%get3A_796, %get3A_797] : memref<640x5xf32, #tpu.memory_space<vmem>>, vector<128x1xf32>
    %get3A_799 = arith.constant 512 : index
    %get3A_800 = arith.constant 1 : index
    %get3A_801 = vector.load %arg0[%get3A_799, %get3A_800] : memref<640x5xf32, #tpu.memory_space<vmem>>, vector<128x1xf32>
    %get3A_802 = arith.constant 512 : index
    %get3A_803 = arith.constant 2 : index
    %get3A_804 = vector.load %arg0[%get3A_802, %get3A_803] : memref<640x5xf32, #tpu.memory_space<vmem>>, vector<128x1xf32>
    %get3A_805 = arith.constant 512 : index
    %get3A_806 = arith.constant 3 : index
    %get3A_807 = vector.load %arg0[%get3A_805, %get3A_806] : memref<640x5xf32, #tpu.memory_space<vmem>>, vector<128x1xf32>
    %get3A_808 = arith.constant 512 : index
    %get3A_809 = arith.constant 4 : index
    %get3A_810 = vector.load %arg0[%get3A_808, %get3A_809] : memref<640x5xf32, #tpu.memory_space<vmem>>, vector<128x1xf32>
    %sub3A_811 = arith.subf %get3A_804, %get3A_798 : vector<128x1xf32>
    %sub3A_812 = arith.subf %get3A_807, %get3A_801 : vector<128x1xf32>
    %mul3A_813 = arith.mulf %sub3A_811, %sub3A_812 : vector<128x1xf32>
    %eq3A_814 = arith.cmpi eq, %iota3A, %iota3A_33 : vector<128x128xi32>
    %jit3A_815 = arith.constant 0.000000e+00 : f32
    %broadcast_in_dim3A_816 = vector.shape_cast %get3A_798 : vector<128x1xf32> to vector<128x1xf32>
    %broadcast_in_dim3A_817 = vector.broadcast %broadcast_in_dim3A_816 : vector<128x1xf32> to vector<128x128xf32>
    %broadcast_in_dim3A_818 = vector.broadcast %jit3A_815 : f32 to vector<128x128xf32>
    %select_n3A_819 = arith.select %eq3A_814, %broadcast_in_dim3A_817, %broadcast_in_dim3A_818 : vector<128x128xi1>, vector<128x128xf32>
    %reduce_sum3A_820 = arith.constant dense<0.000000e+00> : vector<128xf32>
    %reduce_sum3A_821 = vector.multi_reduction <add>, %select_n3A_819, %reduce_sum3A_820 [0] : vector<128x128xf32> to vector<128xf32>
    %broadcast_in_dim3A_822 = vector.shape_cast %reduce_sum3A_821 : vector<128xf32> to vector<1x128xf32>
    %eq3A_823 = arith.cmpi eq, %iota3A, %iota3A_33 : vector<128x128xi32>
    %jit3A_824 = arith.constant 0.000000e+00 : f32
    %broadcast_in_dim3A_825 = vector.shape_cast %get3A_801 : vector<128x1xf32> to vector<128x1xf32>
    %broadcast_in_dim3A_826 = vector.broadcast %broadcast_in_dim3A_825 : vector<128x1xf32> to vector<128x128xf32>
    %broadcast_in_dim3A_827 = vector.broadcast %jit3A_824 : f32 to vector<128x128xf32>
    %select_n3A_828 = arith.select %eq3A_823, %broadcast_in_dim3A_826, %broadcast_in_dim3A_827 : vector<128x128xi1>, vector<128x128xf32>
    %reduce_sum3A_829 = arith.constant dense<0.000000e+00> : vector<128xf32>
    %reduce_sum3A_830 = vector.multi_reduction <add>, %select_n3A_828, %reduce_sum3A_829 [0] : vector<128x128xf32> to vector<128xf32>
    %broadcast_in_dim3A_831 = vector.shape_cast %reduce_sum3A_830 : vector<128xf32> to vector<1x128xf32>
    %eq3A_832 = arith.cmpi eq, %iota3A, %iota3A_33 : vector<128x128xi32>
    %jit3A_833 = arith.constant 0.000000e+00 : f32
    %broadcast_in_dim3A_834 = vector.shape_cast %get3A_804 : vector<128x1xf32> to vector<128x1xf32>
    %broadcast_in_dim3A_835 = vector.broadcast %broadcast_in_dim3A_834 : vector<128x1xf32> to vector<128x128xf32>
    %broadcast_in_dim3A_836 = vector.broadcast %jit3A_833 : f32 to vector<128x128xf32>
    %select_n3A_837 = arith.select %eq3A_832, %broadcast_in_dim3A_835, %broadcast_in_dim3A_836 : vector<128x128xi1>, vector<128x128xf32>
    %reduce_sum3A_838 = arith.constant dense<0.000000e+00> : vector<128xf32>
    %reduce_sum3A_839 = vector.multi_reduction <add>, %select_n3A_837, %reduce_sum3A_838 [0] : vector<128x128xf32> to vector<128xf32>
    %broadcast_in_dim3A_840 = vector.shape_cast %reduce_sum3A_839 : vector<128xf32> to vector<1x128xf32>
    %eq3A_841 = arith.cmpi eq, %iota3A, %iota3A_33 : vector<128x128xi32>
    %jit3A_842 = arith.constant 0.000000e+00 : f32
    %broadcast_in_dim3A_843 = vector.shape_cast %get3A_807 : vector<128x1xf32> to vector<128x1xf32>
    %broadcast_in_dim3A_844 = vector.broadcast %broadcast_in_dim3A_843 : vector<128x1xf32> to vector<128x128xf32>
    %broadcast_in_dim3A_845 = vector.broadcast %jit3A_842 : f32 to vector<128x128xf32>
    %select_n3A_846 = arith.select %eq3A_841, %broadcast_in_dim3A_844, %broadcast_in_dim3A_845 : vector<128x128xi1>, vector<128x128xf32>
    %reduce_sum3A_847 = arith.constant dense<0.000000e+00> : vector<128xf32>
    %reduce_sum3A_848 = vector.multi_reduction <add>, %select_n3A_846, %reduce_sum3A_847 [0] : vector<128x128xf32> to vector<128xf32>
    %broadcast_in_dim3A_849 = vector.shape_cast %reduce_sum3A_848 : vector<128xf32> to vector<1x128xf32>
    %eq3A_850 = arith.cmpi eq, %iota3A, %iota3A_33 : vector<128x128xi32>
    %jit3A_851 = arith.constant 0.000000e+00 : f32
    %broadcast_in_dim3A_852 = vector.shape_cast %mul3A_813 : vector<128x1xf32> to vector<128x1xf32>
    %broadcast_in_dim3A_853 = vector.broadcast %broadcast_in_dim3A_852 : vector<128x1xf32> to vector<128x128xf32>
    %broadcast_in_dim3A_854 = vector.broadcast %jit3A_851 : f32 to vector<128x128xf32>
    %select_n3A_855 = arith.select %eq3A_850, %broadcast_in_dim3A_853, %broadcast_in_dim3A_854 : vector<128x128xi1>, vector<128x128xf32>
    %reduce_sum3A_856 = arith.constant dense<0.000000e+00> : vector<128xf32>
    %reduce_sum3A_857 = vector.multi_reduction <add>, %select_n3A_855, %reduce_sum3A_856 [0] : vector<128x128xf32> to vector<128xf32>
    %broadcast_in_dim3A_858 = vector.shape_cast %reduce_sum3A_857 : vector<128xf32> to vector<1x128xf32>
    %get3A_859 = arith.constant 0 : index
    %get3A_860 = arith.constant 0 : index
    %get3A_861 = vector.load %arg3[%get3A_859, %get3A_860] : memref<640x128xf32, #tpu.memory_space<vmem>>, vector<512x128xf32>
    %max3A_862 = vector.broadcast %broadcast_in_dim3A_822 : vector<1x128xf32> to vector<512x128xf32>
    %max3A_863 = arith.maximumf %get3A_861, %max3A_862 : vector<512x128xf32>
    %get3A_864 = arith.constant 0 : index
    %get3A_865 = arith.constant 0 : index
    %get3A_866 = vector.load %arg4[%get3A_864, %get3A_865] : memref<640x128xf32, #tpu.memory_space<vmem>>, vector<512x128xf32>
    %max3A_867 = vector.broadcast %broadcast_in_dim3A_831 : vector<1x128xf32> to vector<512x128xf32>
    %max3A_868 = arith.maximumf %get3A_866, %max3A_867 : vector<512x128xf32>
    %get3A_869 = arith.constant 0 : index
    %get3A_870 = arith.constant 0 : index
    %get3A_871 = vector.load %arg5[%get3A_869, %get3A_870] : memref<640x128xf32, #tpu.memory_space<vmem>>, vector<512x128xf32>
    %min3A_872 = vector.broadcast %broadcast_in_dim3A_840 : vector<1x128xf32> to vector<512x128xf32>
    %min3A_873 = arith.minimumf %get3A_871, %min3A_872 : vector<512x128xf32>
    %get3A_874 = arith.constant 0 : index
    %get3A_875 = arith.constant 0 : index
    %get3A_876 = vector.load %arg6[%get3A_874, %get3A_875] : memref<640x128xf32, #tpu.memory_space<vmem>>, vector<512x128xf32>
    %min3A_877 = vector.broadcast %broadcast_in_dim3A_849 : vector<1x128xf32> to vector<512x128xf32>
    %min3A_878 = arith.minimumf %get3A_876, %min3A_877 : vector<512x128xf32>
    %sub3A_879 = arith.subf %min3A_873, %max3A_863 : vector<512x128xf32>
    %max3A_880 = arith.constant 0.000000e+00 : f32
    %max3A_881 = vector.broadcast %max3A_880 : f32 to vector<512x128xf32>
    %max3A_882 = arith.maximumf %sub3A_879, %max3A_881 : vector<512x128xf32>
    %sub3A_883 = arith.subf %min3A_878, %max3A_868 : vector<512x128xf32>
    %max3A_884 = arith.constant 0.000000e+00 : f32
    %max3A_885 = vector.broadcast %max3A_884 : f32 to vector<512x128xf32>
    %max3A_886 = arith.maximumf %sub3A_883, %max3A_885 : vector<512x128xf32>
    %mul3A_887 = arith.mulf %max3A_882, %max3A_886 : vector<512x128xf32>
    %get3A_888 = arith.constant 0 : index
    %get3A_889 = arith.constant 0 : index
    %get3A_890 = vector.load %arg7[%get3A_888, %get3A_889] : memref<640x128xf32, #tpu.memory_space<vmem>>, vector<512x128xf32>
    %add3A_891 = vector.broadcast %broadcast_in_dim3A_858 : vector<1x128xf32> to vector<512x128xf32>
    %add3A_892 = arith.addf %add3A_891, %get3A_890 : vector<512x128xf32>
    %sub3A_893 = arith.subf %add3A_892, %mul3A_887 : vector<512x128xf32>
    %add3A_894 = arith.constant 9.99999997E-7 : f32
    %add3A_895 = vector.broadcast %add3A_894 : f32 to vector<512x128xf32>
    %add3A_896 = arith.addf %sub3A_893, %add3A_895 : vector<512x128xf32>
    %div3A_897 = arith.divf %mul3A_887, %add3A_896 : vector<512x128xf32>
    %ge3A_898 = arith.constant 5.000000e-01 : f32
    %ge3A_899 = vector.broadcast %ge3A_898 : f32 to vector<512x128xf32>
    %ge3A_900 = arith.cmpf oge, %div3A_897, %ge3A_899 : vector<512x128xf32>
    %reduce_or3A_901 = arith.constant 1.000000e+00 : f32
    %reduce_or3A_902 = arith.constant 0.000000e+00 : f32
    %reduce_or3A_903 = vector.broadcast %reduce_or3A_901 : f32 to vector<512x128xf32>
    %reduce_or3A_904 = vector.broadcast %reduce_or3A_902 : f32 to vector<512x128xf32>
    %reduce_or3A_905 = arith.select %ge3A_900, %reduce_or3A_903, %reduce_or3A_904 : vector<512x128xi1>, vector<512x128xf32>
    %reduce_or3A_906 = arith.constant dense<0xFF800000> : vector<128xf32>
    %reduce_or3A_907 = vector.multi_reduction <maximumf>, %reduce_or3A_905, %reduce_or3A_906 [0] : vector<512x128xf32> to vector<128xf32>
    %reduce_or3A_908 = arith.constant 0.000000e+00 : f32
    %reduce_or3A_909 = vector.broadcast %reduce_or3A_908 : f32 to vector<128xf32>
    %reduce_or3A_910 = arith.cmpf ogt, %reduce_or3A_907, %reduce_or3A_909 : vector<128xf32>
    %broadcast_in_dim3A_911 = vector.shape_cast %reduce_or3A_910 : vector<128xi1> to vector<1x128xi1>
    %not3A_912 = arith.constant dense<true> : vector<1x128xi1>
    %not3A_913 = arith.xori %broadcast_in_dim3A_911, %not3A_912 : vector<1x128xi1>
    %max3A_914 = vector.broadcast %get3A_798 : vector<128x1xf32> to vector<128x128xf32>
    %max3A_915 = vector.broadcast %broadcast_in_dim3A_822 : vector<1x128xf32> to vector<128x128xf32>
    %max3A_916 = arith.maximumf %max3A_914, %max3A_915 : vector<128x128xf32>
    %max3A_917 = vector.broadcast %get3A_801 : vector<128x1xf32> to vector<128x128xf32>
    %max3A_918 = vector.broadcast %broadcast_in_dim3A_831 : vector<1x128xf32> to vector<128x128xf32>
    %max3A_919 = arith.maximumf %max3A_917, %max3A_918 : vector<128x128xf32>
    %min3A_920 = vector.broadcast %get3A_804 : vector<128x1xf32> to vector<128x128xf32>
    %min3A_921 = vector.broadcast %broadcast_in_dim3A_840 : vector<1x128xf32> to vector<128x128xf32>
    %min3A_922 = arith.minimumf %min3A_920, %min3A_921 : vector<128x128xf32>
    %min3A_923 = vector.broadcast %get3A_807 : vector<128x1xf32> to vector<128x128xf32>
    %min3A_924 = vector.broadcast %broadcast_in_dim3A_849 : vector<1x128xf32> to vector<128x128xf32>
    %min3A_925 = arith.minimumf %min3A_923, %min3A_924 : vector<128x128xf32>
    %sub3A_926 = arith.subf %min3A_922, %max3A_916 : vector<128x128xf32>
    %max3A_927 = arith.constant 0.000000e+00 : f32
    %max3A_928 = vector.broadcast %max3A_927 : f32 to vector<128x128xf32>
    %max3A_929 = arith.maximumf %sub3A_926, %max3A_928 : vector<128x128xf32>
    %sub3A_930 = arith.subf %min3A_925, %max3A_919 : vector<128x128xf32>
    %max3A_931 = arith.constant 0.000000e+00 : f32
    %max3A_932 = vector.broadcast %max3A_931 : f32 to vector<128x128xf32>
    %max3A_933 = arith.maximumf %sub3A_930, %max3A_932 : vector<128x128xf32>
    %mul3A_934 = arith.mulf %max3A_929, %max3A_933 : vector<128x128xf32>
    %add3A_935 = vector.broadcast %mul3A_813 : vector<128x1xf32> to vector<128x128xf32>
    %add3A_936 = vector.broadcast %broadcast_in_dim3A_858 : vector<1x128xf32> to vector<128x128xf32>
    %add3A_937 = arith.addf %add3A_935, %add3A_936 : vector<128x128xf32>
    %sub3A_938 = arith.subf %add3A_937, %mul3A_934 : vector<128x128xf32>
    %add3A_939 = arith.constant 9.99999997E-7 : f32
    %add3A_940 = vector.broadcast %add3A_939 : f32 to vector<128x128xf32>
    %add3A_941 = arith.addf %sub3A_938, %add3A_940 : vector<128x128xf32>
    %div3A_942 = arith.divf %mul3A_934, %add3A_941 : vector<128x128xf32>
    %ge3A_943 = arith.constant 5.000000e-01 : f32
    %ge3A_944 = vector.broadcast %ge3A_943 : f32 to vector<128x128xf32>
    %ge3A_945 = arith.cmpf oge, %div3A_942, %ge3A_944 : vector<128x128xf32>
    %lt3A_946 = arith.cmpi slt, %iota3A, %iota3A_33 : vector<128x128xi32>
    %and3A_947 = arith.andi %ge3A_945, %lt3A_946 : vector<128x128xi1>
    %convert_element_type3A_948 = arith.extui %not3A_913 : vector<1x128xi1> to vector<1x128xi32>
    %swap3A_949 = arith.constant 0 : index
    %swap3A_950 = arith.constant 0 : index
    %swap3A_951 = vector.load %arg9[%swap3A_949, %swap3A_950] : memref<1x128xi32, #tpu.memory_space<vmem>>, vector<1x128xi32>
    tpu.vector_store %arg9[%swap3A_949, %swap3A_950], %convert_element_type3A_948 {strides = array<i32>} : memref<1x128xi32, #tpu.memory_space<vmem>>, vector<1x128xi32>,
    %while3A_952 = arith.constant true
    %while3A_953 = scf.while (%while3A_1013 = %while3A_952) : (i1) -> i1 {
      scf.condition(%while3A_1013) %while3A_1013 : i1
    } do {
    ^bb0(%while3A_1013: i1):
      %get3A_1014 = arith.constant 0 : index
      %get3A_1015 = arith.constant 0 : index
      %get3A_1016 = vector.load %arg9[%get3A_1014, %get3A_1015] : memref<1x128xi32, #tpu.memory_space<vmem>>, vector<1x128xi32>
      %ne3A_1017 = arith.constant 0 : i32
      %ne3A_1018 = vector.broadcast %ne3A_1017 : i32 to vector<1x128xi32>
      %ne3A_1019 = arith.cmpi ne, %get3A_1016, %ne3A_1018 : vector<1x128xi32>
      %eq3A_1020 = arith.cmpi eq, %iota3A_33, %iota3A : vector<128x128xi32>
      %and3A_1021 = vector.broadcast %ne3A_1019 : vector<1x128xi1> to vector<128x128xi1>
      %and3A_1022 = arith.andi %eq3A_1020, %and3A_1021 : vector<128x128xi1>
      %reduce_or3A_1023 = arith.constant 1.000000e+00 : f32
      %reduce_or3A_1024 = arith.constant 0.000000e+00 : f32
      %reduce_or3A_1025 = vector.broadcast %reduce_or3A_1023 : f32 to vector<128x128xf32>
      %reduce_or3A_1026 = vector.broadcast %reduce_or3A_1024 : f32 to vector<128x128xf32>
      %reduce_or3A_1027 = arith.select %and3A_1022, %reduce_or3A_1025, %reduce_or3A_1026 : vector<128x128xi1>, vector<128x128xf32>
      %reduce_or3A_1028 = arith.constant dense<0xFF800000> : vector<128xf32>
      %reduce_or3A_1029 = vector.multi_reduction <maximumf>, %reduce_or3A_1027, %reduce_or3A_1028 [1] : vector<128x128xf32> to vector<128xf32>
      %reduce_or3A_1030 = arith.constant 0.000000e+00 : f32
      %reduce_or3A_1031 = vector.broadcast %reduce_or3A_1030 : f32 to vector<128xf32>
      %reduce_or3A_1032 = arith.cmpf ogt, %reduce_or3A_1029, %reduce_or3A_1031 : vector<128xf32>
      %broadcast_in_dim3A_1033 = vector.shape_cast %reduce_or3A_1032 : vector<128xi1> to vector<128x1xi1>
      %and3A_1034 = vector.broadcast %broadcast_in_dim3A_1033 : vector<128x1xi1> to vector<128x128xi1>
      %and3A_1035 = arith.andi %and3A_947, %and3A_1034 : vector<128x128xi1>
      %reduce_or3A_1036 = arith.constant 1.000000e+00 : f32
      %reduce_or3A_1037 = arith.constant 0.000000e+00 : f32
      %reduce_or3A_1038 = vector.broadcast %reduce_or3A_1036 : f32 to vector<128x128xf32>
      %reduce_or3A_1039 = vector.broadcast %reduce_or3A_1037 : f32 to vector<128x128xf32>
      %reduce_or3A_1040 = arith.select %and3A_1035, %reduce_or3A_1038, %reduce_or3A_1039 : vector<128x128xi1>, vector<128x128xf32>
      %reduce_or3A_1041 = arith.constant dense<0xFF800000> : vector<128xf32>
      %reduce_or3A_1042 = vector.multi_reduction <maximumf>, %reduce_or3A_1040, %reduce_or3A_1041 [0] : vector<128x128xf32> to vector<128xf32>
      %reduce_or3A_1043 = arith.constant 0.000000e+00 : f32
      %reduce_or3A_1044 = vector.broadcast %reduce_or3A_1043 : f32 to vector<128xf32>
      %reduce_or3A_1045 = arith.cmpf ogt, %reduce_or3A_1042, %reduce_or3A_1044 : vector<128xf32>
      %broadcast_in_dim3A_1046 = vector.shape_cast %reduce_or3A_1045 : vector<128xi1> to vector<1x128xi1>
      %not3A_1047 = arith.constant dense<true> : vector<1x128xi1>
      %not3A_1048 = arith.xori %broadcast_in_dim3A_1046, %not3A_1047 : vector<1x128xi1>
      %and3A_1049 = arith.andi %not3A_913, %not3A_1048 : vector<1x128xi1>
      %convert_element_type3A_1050 = arith.extui %and3A_1049 : vector<1x128xi1> to vector<1x128xi32>
      %swap3A_1051 = arith.constant 0 : index
      %swap3A_1052 = arith.constant 0 : index
      %swap3A_1053 = vector.load %arg9[%swap3A_1051, %swap3A_1052] : memref<1x128xi32, #tpu.memory_space<vmem>>, vector<1x128xi32>
      tpu.vector_store %arg9[%swap3A_1051, %swap3A_1052], %convert_element_type3A_1050 {strides = array<i32>} : memref<1x128xi32, #tpu.memory_space<vmem>>, vector<1x128xi32>,
      %ne3A_1054 = arith.xori %and3A_1049, %ne3A_1019 : vector<1x128xi1>
      %reduce_or3A_1055 = arith.constant 1.000000e+00 : f32
      %reduce_or3A_1056 = arith.constant 0.000000e+00 : f32
      %reduce_or3A_1057 = vector.broadcast %reduce_or3A_1055 : f32 to vector<1x128xf32>
      %reduce_or3A_1058 = vector.broadcast %reduce_or3A_1056 : f32 to vector<1x128xf32>
      %reduce_or3A_1059 = arith.select %ne3A_1054, %reduce_or3A_1057, %reduce_or3A_1058 : vector<1x128xi1>, vector<1x128xf32>
      %reduce_or3A_1060 = vector.shape_cast %reduce_or3A_1059 : vector<1x128xf32> to vector<1x1x128xf32>
      %reduce_or3A_1061 = arith.constant dense<0xFF800000> : vector<1xf32>
      %reduce_or3A_1062 = vector.multi_reduction <maximumf>, %reduce_or3A_1060, %reduce_or3A_1061 [1, 2] : vector<1x1x128xf32> to vector<1xf32>
      %reduce_or3A_1063 = vector.shape_cast %reduce_or3A_1062 : vector<1xf32> to vector<1x1x1xf32>
      %reduce_or3A_1064 = vector.extract %reduce_or3A_1063[0, 0, 0] : f32 from vector<1x1x1xf32>
      %reduce_or3A_1065 = arith.constant 0.000000e+00 : f32
      %reduce_or3A_1066 = arith.cmpf ogt, %reduce_or3A_1064, %reduce_or3A_1065 : f32
      scf.yield %reduce_or3A_1066 : i1
    }
    %get3A_954 = arith.constant 0 : index
    %get3A_955 = arith.constant 0 : index
    %get3A_956 = vector.load %arg9[%get3A_954, %get3A_955] : memref<1x128xi32, #tpu.memory_space<vmem>>, vector<1x128xi32>
    %ne3A_957 = arith.constant 0 : i32
    %ne3A_958 = vector.broadcast %ne3A_957 : i32 to vector<1x128xi32>
    %ne3A_959 = arith.cmpi ne, %get3A_956, %ne3A_958 : vector<1x128xi32>
    %convert_element_type3A_960 = arith.extui %ne3A_959 : vector<1x128xi1> to vector<1x128xi32>
    %convert_element_type3A_961 = arith.sitofp %convert_element_type3A_960 : vector<1x128xi32> to vector<1x128xf32>
    %eq3A_962 = arith.cmpi eq, %iota3A_33, %iota3A : vector<128x128xi32>
    %and3A_963 = vector.broadcast %ne3A_959 : vector<1x128xi1> to vector<128x128xi1>
    %and3A_964 = arith.andi %eq3A_962, %and3A_963 : vector<128x128xi1>
    %reduce_or3A_965 = arith.constant 1.000000e+00 : f32
    %reduce_or3A_966 = arith.constant 0.000000e+00 : f32
    %reduce_or3A_967 = vector.broadcast %reduce_or3A_965 : f32 to vector<128x128xf32>
    %reduce_or3A_968 = vector.broadcast %reduce_or3A_966 : f32 to vector<128x128xf32>
    %reduce_or3A_969 = arith.select %and3A_964, %reduce_or3A_967, %reduce_or3A_968 : vector<128x128xi1>, vector<128x128xf32>
    %reduce_or3A_970 = arith.constant dense<0xFF800000> : vector<128xf32>
    %reduce_or3A_971 = vector.multi_reduction <maximumf>, %reduce_or3A_969, %reduce_or3A_970 [1] : vector<128x128xf32> to vector<128xf32>
    %reduce_or3A_972 = arith.constant 0.000000e+00 : f32
    %reduce_or3A_973 = vector.broadcast %reduce_or3A_972 : f32 to vector<128xf32>
    %reduce_or3A_974 = arith.cmpf ogt, %reduce_or3A_971, %reduce_or3A_973 : vector<128xf32>
    %broadcast_in_dim3A_975 = vector.shape_cast %reduce_or3A_974 : vector<128xi1> to vector<128x1xi1>
    %dot_general3A_976 = arith.constant dense<0.000000e+00> : vector<1x128xf32>
    %dot_general3A_977 = tpu.matmul %convert_element_type3A_961, %convert_element_type3A_34, %dot_general3A_976 {dimension_numbers = #tpu.dot_dimension_numbers<[1], [0], [0], [1], [0, 0, 1, 1], [], []>, transpose_lhs_hint = false} : vector<1x128xf32>, vector<128x128xf32>, vector<1x128xf32> -> vector<1x128xf32>
    %convert_element_type3A_978 = arith.fptosi %dot_general3A_977 : vector<1x128xf32> to vector<1x128xi32>
    %eq3A_979 = vector.broadcast %convert_element_type3A_978 : vector<1x128xi32> to vector<128x128xi32>
    %eq3A_980 = arith.cmpi eq, %iota3A, %eq3A_979 : vector<128x128xi32>
    %and3A_981 = vector.broadcast %ne3A_959 : vector<1x128xi1> to vector<128x128xi1>
    %and3A_982 = arith.andi %eq3A_980, %and3A_981 : vector<128x128xi1>
    %convert_element_type3A_983 = arith.extui %and3A_982 : vector<128x128xi1> to vector<128x128xi32>
    %convert_element_type3A_984 = arith.sitofp %convert_element_type3A_983 : vector<128x128xi32> to vector<128x128xf32>
    %broadcast_in_dim3A_985 = arith.constant 0.000000e+00 : f32
    %broadcast_in_dim3A_986 = vector.broadcast %broadcast_in_dim3A_985 : f32 to vector<128x3xf32>
    %concatenate3A_987 = tpu.concatenate %get3A_798, %get3A_801, %get3A_804, %get3A_807, %get3A_810, %broadcast_in_dim3A_986 in 1 : vector<128x1xf32>, vector<128x1xf32>, vector<128x1xf32>, vector<128x1xf32>, vector<128x1xf32>, vector<128x3xf32> -> vector<128x8xf32>
    %dot_general3A_988 = arith.constant dense<0.000000e+00> : vector<128x8xf32>
    %dot_general3A_989 = tpu.matmul %convert_element_type3A_984, %concatenate3A_987, %dot_general3A_988 {dimension_numbers = #tpu.dot_dimension_numbers<[1], [0], [0], [1], [0, 0, 1, 1], [], []>, precision = #tpu.contract_precision<fp32>, transpose_lhs_hint = false} : vector<128x128xf32>, vector<128x8xf32>, vector<128x8xf32> -> vector<128x8xf32>
    %convert_element_type3A_990 = arith.extui %lt3A_795 : i1 to i32
    %cond3A_991 = arith.constant 0 : i32
    %cond3A_992 = arith.cmpi ne, %convert_element_type3A_990, %cond3A_991 : i32
    scf.if %cond3A_992 {
      %jit3A_1013 = arith.constant -1.000000e+09 : f32
      %broadcast_in_dim3A_1014 = vector.broadcast %jit3A_1013 : f32 to vector<128x1xf32>
      %select_n3A_1015 = arith.select %broadcast_in_dim3A_975, %get3A_798, %broadcast_in_dim3A_1014 : vector<128x1xi1>, vector<128x1xf32>
      %broadcast_in_dim3A_1016 = vector.shape_cast %select_n3A_1015 : vector<128x1xf32> to vector<128x1xf32>
      %broadcast_in_dim3A_1017 = vector.broadcast %broadcast_in_dim3A_1016 : vector<128x1xf32> to vector<128x128xf32>
      %swap3A_1018 = arith.constant 512 : index
      %swap3A_1019 = arith.constant 0 : index
      %swap3A_1020 = vector.load %arg3[%swap3A_1018, %swap3A_1019] : memref<640x128xf32, #tpu.memory_space<vmem>>, vector<128x128xf32>
      tpu.vector_store %arg3[%swap3A_1018, %swap3A_1019], %broadcast_in_dim3A_1017 {strides = array<i32>} : memref<640x128xf32, #tpu.memory_space<vmem>>, vector<128x128xf32>,
      %jit3A_1021 = arith.constant -1.000000e+09 : f32
      %broadcast_in_dim3A_1022 = vector.broadcast %jit3A_1021 : f32 to vector<128x1xf32>
      %select_n3A_1023 = arith.select %broadcast_in_dim3A_975, %get3A_801, %broadcast_in_dim3A_1022 : vector<128x1xi1>, vector<128x1xf32>
      %broadcast_in_dim3A_1024 = vector.shape_cast %select_n3A_1023 : vector<128x1xf32> to vector<128x1xf32>
      %broadcast_in_dim3A_1025 = vector.broadcast %broadcast_in_dim3A_1024 : vector<128x1xf32> to vector<128x128xf32>
      %swap3A_1026 = arith.constant 512 : index
      %swap3A_1027 = arith.constant 0 : index
      %swap3A_1028 = vector.load %arg4[%swap3A_1026, %swap3A_1027] : memref<640x128xf32, #tpu.memory_space<vmem>>, vector<128x128xf32>
      tpu.vector_store %arg4[%swap3A_1026, %swap3A_1027], %broadcast_in_dim3A_1025 {strides = array<i32>} : memref<640x128xf32, #tpu.memory_space<vmem>>, vector<128x128xf32>,
      %jit3A_1029 = arith.constant -1.000000e+09 : f32
      %broadcast_in_dim3A_1030 = vector.broadcast %jit3A_1029 : f32 to vector<128x1xf32>
      %select_n3A_1031 = arith.select %broadcast_in_dim3A_975, %get3A_804, %broadcast_in_dim3A_1030 : vector<128x1xi1>, vector<128x1xf32>
      %broadcast_in_dim3A_1032 = vector.shape_cast %select_n3A_1031 : vector<128x1xf32> to vector<128x1xf32>
      %broadcast_in_dim3A_1033 = vector.broadcast %broadcast_in_dim3A_1032 : vector<128x1xf32> to vector<128x128xf32>
      %swap3A_1034 = arith.constant 512 : index
      %swap3A_1035 = arith.constant 0 : index
      %swap3A_1036 = vector.load %arg5[%swap3A_1034, %swap3A_1035] : memref<640x128xf32, #tpu.memory_space<vmem>>, vector<128x128xf32>
      tpu.vector_store %arg5[%swap3A_1034, %swap3A_1035], %broadcast_in_dim3A_1033 {strides = array<i32>} : memref<640x128xf32, #tpu.memory_space<vmem>>, vector<128x128xf32>,
      %jit3A_1037 = arith.constant -1.000000e+09 : f32
      %broadcast_in_dim3A_1038 = vector.broadcast %jit3A_1037 : f32 to vector<128x1xf32>
      %select_n3A_1039 = arith.select %broadcast_in_dim3A_975, %get3A_807, %broadcast_in_dim3A_1038 : vector<128x1xi1>, vector<128x1xf32>
      %broadcast_in_dim3A_1040 = vector.shape_cast %select_n3A_1039 : vector<128x1xf32> to vector<128x1xf32>
      %broadcast_in_dim3A_1041 = vector.broadcast %broadcast_in_dim3A_1040 : vector<128x1xf32> to vector<128x128xf32>
      %swap3A_1042 = arith.constant 512 : index
      %swap3A_1043 = arith.constant 0 : index
      %swap3A_1044 = vector.load %arg6[%swap3A_1042, %swap3A_1043] : memref<640x128xf32, #tpu.memory_space<vmem>>, vector<128x128xf32>
      tpu.vector_store %arg6[%swap3A_1042, %swap3A_1043], %broadcast_in_dim3A_1041 {strides = array<i32>} : memref<640x128xf32, #tpu.memory_space<vmem>>, vector<128x128xf32>,
      %jit3A_1045 = arith.constant 0.000000e+00 : f32
      %broadcast_in_dim3A_1046 = vector.broadcast %jit3A_1045 : f32 to vector<128x1xf32>
      %select_n3A_1047 = arith.select %broadcast_in_dim3A_975, %mul3A_813, %broadcast_in_dim3A_1046 : vector<128x1xi1>, vector<128x1xf32>
      %broadcast_in_dim3A_1048 = vector.shape_cast %select_n3A_1047 : vector<128x1xf32> to vector<128x1xf32>
      %broadcast_in_dim3A_1049 = vector.broadcast %broadcast_in_dim3A_1048 : vector<128x1xf32> to vector<128x128xf32>
      %swap3A_1050 = arith.constant 512 : index
      %swap3A_1051 = arith.constant 0 : index
      %swap3A_1052 = vector.load %arg7[%swap3A_1050, %swap3A_1051] : memref<640x128xf32, #tpu.memory_space<vmem>>, vector<128x128xf32>
      tpu.vector_store %arg7[%swap3A_1050, %swap3A_1051], %broadcast_in_dim3A_1049 {strides = array<i32>} : memref<640x128xf32, #tpu.memory_space<vmem>>, vector<128x128xf32>,
      %swap3A_1053 = arith.index_cast %select_n3A_793 : i32 to index
      %swap3A_1054 = arith.constant 0 : index
      %swap3A_1055 = vector.load %arg8[%swap3A_1053, %swap3A_1054] : memref<640x8xf32, #tpu.memory_space<vmem>>, vector<128x8xf32>
      tpu.vector_store %arg8[%swap3A_1053, %swap3A_1054], %dot_general3A_989 {strides = array<i32>} : memref<640x8xf32, #tpu.memory_space<vmem>>, vector<128x8xf32>,
    } else {
    }
    %reduce_sum3A_993 = vector.shape_cast %convert_element_type3A_961 : vector<1x128xf32> to vector<1x1x128xf32>
    %reduce_sum3A_994 = arith.constant dense<0.000000e+00> : vector<1xf32>
    %reduce_sum3A_995 = vector.multi_reduction <add>, %reduce_sum3A_993, %reduce_sum3A_994 [1, 2] : vector<1x1x128xf32> to vector<1xf32>
    %reduce_sum3A_996 = vector.shape_cast %reduce_sum3A_995 : vector<1xf32> to vector<1x1x1xf32>
    %reduce_sum3A_997 = vector.extract %reduce_sum3A_996[0, 0, 0] : f32 from vector<1x1x1xf32>
    %convert_element_type3A_998 = arith.fptosi %reduce_sum3A_997 : f32 to i32
    %add3A_999 = arith.addi %select_n3A_793, %convert_element_type3A_998 : i32
    %select_n3A_1000 = arith.select %lt3A_795, %add3A_999, %select_n3A_793 : i32
    %get3A_1001 = arith.constant 0 : index
    %get3A_1002 = arith.constant 0 : index
    %get3A_1003 = vector.load %arg8[%get3A_1001, %get3A_1002] : memref<640x8xf32, #tpu.memory_space<vmem>>, vector<500x5xf32>
    %swap3A_1004 = arith.constant 0 : index
    %swap3A_1005 = arith.constant 0 : index
    %swap3A_1006 = vector.load %arg1[%swap3A_1004, %swap3A_1005] : memref<500x5xf32, #tpu.memory_space<vmem>>, vector<500x5xf32>
    tpu.vector_store %arg1[%swap3A_1004, %swap3A_1005], %get3A_1003 {strides = array<i32>} : memref<500x5xf32, #tpu.memory_space<vmem>>, vector<500x5xf32>,
    %lt3A_1007 = arith.constant 500 : i32
    %lt3A_1008 = arith.cmpi slt, %select_n3A_1000, %lt3A_1007 : i32
    %convert_element_type3A_1009 = arith.extui %lt3A_1008 : i1 to i32
    %reshape3A = vector.broadcast %convert_element_type3A_1009 : i32 to vector<1x1xi32>
    %swap3A_1010 = arith.constant 0 : index
    %swap3A_1011 = arith.constant 0 : index
    %swap3A_1012 = vector.load %arg2[%swap3A_1010, %swap3A_1011] : memref<1x1xi32, #tpu.memory_space<vmem>>, vector<1x1xi32>
    tpu.vector_store %arg2[%swap3A_1010, %swap3A_1011], %reshape3A {strides = array<i32>} : memref<1x1xi32, #tpu.memory_space<vmem>>, vector<1x1xi32>,
    return
  }
}

module attributes {stable_mosaic.version = 14 : i64} {
  func.func @_nms_body(%arg0: memref<5x160x128xf32, #tpu.memory_space<vmem>>, %arg1: memref<500x5xf32, #tpu.memory_space<vmem>>, %arg2: memref<1x1xi32, #tpu.memory_space<vmem>>, %arg3: memref<4x128xf32, #tpu.memory_space<vmem>>, %arg4: memref<4x128xf32, #tpu.memory_space<vmem>>, %arg5: memref<4x128xf32, #tpu.memory_space<vmem>>, %arg6: memref<4x128xf32, #tpu.memory_space<vmem>>, %arg7: memref<4x128xf32, #tpu.memory_space<vmem>>) attributes {dimension_semantics = [], scalar_prefetch = 0 : i64, scratch_operands = 5 : i64, tpu.core_type = #tpu.core_type<tc>} {
    %broadcast_in_dim3A = arith.constant 0.000000e+00 : f32
    %broadcast_in_dim3A_0 = vector.broadcast %broadcast_in_dim3A : f32 to vector<500x5xf32>
    %swap3A = arith.constant 0 : index
    %swap3A_1 = arith.constant 0 : index
    %swap3A_2 = vector.load %arg1[%swap3A, %swap3A_1] : memref<500x5xf32, #tpu.memory_space<vmem>>, vector<500x5xf32>
    tpu.vector_store %arg1[%swap3A, %swap3A_1], %broadcast_in_dim3A_0 {strides = array<i32>} : memref<500x5xf32, #tpu.memory_space<vmem>>, vector<500x5xf32>,
    %broadcast_in_dim3A_3 = arith.constant 0.000000e+00 : f32
    %broadcast_in_dim3A_4 = vector.broadcast %broadcast_in_dim3A_3 : f32 to vector<4x128xf32>
    %swap3A_5 = arith.constant 0 : index
    %swap3A_6 = arith.constant 0 : index
    %swap3A_7 = vector.load %arg3[%swap3A_5, %swap3A_6] : memref<4x128xf32, #tpu.memory_space<vmem>>, vector<4x128xf32>
    tpu.vector_store %arg3[%swap3A_5, %swap3A_6], %broadcast_in_dim3A_4 {strides = array<i32>} : memref<4x128xf32, #tpu.memory_space<vmem>>, vector<4x128xf32>,
    %broadcast_in_dim3A_8 = arith.constant 0.000000e+00 : f32
    %broadcast_in_dim3A_9 = vector.broadcast %broadcast_in_dim3A_8 : f32 to vector<4x128xf32>
    %swap3A_10 = arith.constant 0 : index
    %swap3A_11 = arith.constant 0 : index
    %swap3A_12 = vector.load %arg4[%swap3A_10, %swap3A_11] : memref<4x128xf32, #tpu.memory_space<vmem>>, vector<4x128xf32>
    tpu.vector_store %arg4[%swap3A_10, %swap3A_11], %broadcast_in_dim3A_9 {strides = array<i32>} : memref<4x128xf32, #tpu.memory_space<vmem>>, vector<4x128xf32>,
    %broadcast_in_dim3A_13 = arith.constant 0.000000e+00 : f32
    %broadcast_in_dim3A_14 = vector.broadcast %broadcast_in_dim3A_13 : f32 to vector<4x128xf32>
    %swap3A_15 = arith.constant 0 : index
    %swap3A_16 = arith.constant 0 : index
    %swap3A_17 = vector.load %arg5[%swap3A_15, %swap3A_16] : memref<4x128xf32, #tpu.memory_space<vmem>>, vector<4x128xf32>
    tpu.vector_store %arg5[%swap3A_15, %swap3A_16], %broadcast_in_dim3A_14 {strides = array<i32>} : memref<4x128xf32, #tpu.memory_space<vmem>>, vector<4x128xf32>,
    %broadcast_in_dim3A_18 = arith.constant 0.000000e+00 : f32
    %broadcast_in_dim3A_19 = vector.broadcast %broadcast_in_dim3A_18 : f32 to vector<4x128xf32>
    %swap3A_20 = arith.constant 0 : index
    %swap3A_21 = arith.constant 0 : index
    %swap3A_22 = vector.load %arg6[%swap3A_20, %swap3A_21] : memref<4x128xf32, #tpu.memory_space<vmem>>, vector<4x128xf32>
    tpu.vector_store %arg6[%swap3A_20, %swap3A_21], %broadcast_in_dim3A_19 {strides = array<i32>} : memref<4x128xf32, #tpu.memory_space<vmem>>, vector<4x128xf32>,
    %broadcast_in_dim3A_23 = arith.constant 0.000000e+00 : f32
    %broadcast_in_dim3A_24 = vector.broadcast %broadcast_in_dim3A_23 : f32 to vector<4x128xf32>
    %swap3A_25 = arith.constant 0 : index
    %swap3A_26 = arith.constant 0 : index
    %swap3A_27 = vector.load %arg7[%swap3A_25, %swap3A_26] : memref<4x128xf32, #tpu.memory_space<vmem>>, vector<4x128xf32>
    tpu.vector_store %arg7[%swap3A_25, %swap3A_26], %broadcast_in_dim3A_24 {strides = array<i32>} : memref<4x128xf32, #tpu.memory_space<vmem>>, vector<4x128xf32>,
    %iota3A = tpu.iota {dimensions = array<i32: 2>} : vector<1x1x128xi32>
    %iota3A_28 = tpu.iota {dimensions = array<i32: 0>} : vector<4x128xi32>
    %iota3A_29 = tpu.iota {dimensions = array<i32: 1>} : vector<4x128xi32>
    %mul3A = arith.constant 128 : i32
    %mul3A_30 = vector.broadcast %mul3A : i32 to vector<4x128xi32>
    %mul3A_31 = arith.muli %iota3A_28, %mul3A_30 : vector<4x128xi32>
    %add3A = arith.addi %mul3A_31, %iota3A_29 : vector<4x128xi32>
    %while3A = arith.constant 0 : i32
    %while3A_32 = arith.constant 0 : i32
    %while3A_33:2 = scf.while (%while3A_38 = %while3A, %while3A_39 = %while3A_32) : (i32, i32) -> (i32, i32) {
      %lt3A_40 = arith.constant 500 : i32
      %lt3A_41 = arith.cmpi slt, %while3A_39, %lt3A_40 : i32
      %lt3A_42 = arith.constant 20000 : i32
      %lt3A_43 = arith.cmpi slt, %while3A_38, %lt3A_42 : i32
      %and3A = arith.andi %lt3A_41, %lt3A_43 : i1
      scf.condition(%and3A) %while3A_38, %while3A_39 : i32, i32
    } do {
    ^bb0(%while3A_38: i32, %while3A_39: i32):
      %jit3A = arith.constant 128 : i32
      %div3A = arith.divsi %while3A_38, %jit3A : i32
      %sign3A = arith.constant 0 : i32
      %sign3A_40 = arith.cmpi sgt, %while3A_38, %sign3A : i32
      %sign3A_41 = arith.extui %sign3A_40 : i1 to i32
      %sign3A_42 = arith.constant 0 : i32
      %sign3A_43 = arith.cmpi slt, %while3A_38, %sign3A_42 : i32
      %sign3A_44 = arith.extui %sign3A_43 : i1 to i32
      %sign3A_45 = arith.subi %sign3A_41, %sign3A_44 : i32
      %sign3A_46 = arith.constant 0 : i32
      %sign3A_47 = arith.cmpi sgt, %jit3A, %sign3A_46 : i32
      %sign3A_48 = arith.extui %sign3A_47 : i1 to i32
      %sign3A_49 = arith.constant 0 : i32
      %sign3A_50 = arith.cmpi slt, %jit3A, %sign3A_49 : i32
      %sign3A_51 = arith.extui %sign3A_50 : i1 to i32
      %sign3A_52 = arith.subi %sign3A_48, %sign3A_51 : i32
      %ne3A = arith.cmpi ne, %sign3A_45, %sign3A_52 : i32
      %rem3A = arith.remsi %while3A_38, %jit3A : i32
      %ne3A_53 = arith.constant 0 : i32
      %ne3A_54 = arith.cmpi ne, %rem3A, %ne3A_53 : i32
      %and3A = arith.andi %ne3A, %ne3A_54 : i1
      %sub3A = arith.constant 1 : i32
      %sub3A_55 = arith.subi %div3A, %sub3A : i32
      %select_n3A = arith.select %and3A, %sub3A_55, %div3A : i32
      %mul3A_56 = arith.constant 128 : i32
      %mul3A_57 = arith.muli %select_n3A, %mul3A_56 : i32
      %sub3A_58 = arith.subi %while3A_38, %mul3A_57 : i32
      %get3A = arith.constant 0 : index
      %get3A_59 = arith.index_cast %select_n3A : i32 to index
      %get3A_60 = arith.constant 0 : index
      %get3A_61 = vector.load %arg0[%get3A, %get3A_59, %get3A_60] : memref<5x160x128xf32, #tpu.memory_space<vmem>>, vector<5x1x128xf32>
      %eq3A = vector.broadcast %sub3A_58 : i32 to vector<1x1x128xi32>
      %eq3A_62 = arith.cmpi eq, %iota3A, %eq3A : vector<1x1x128xi32>
      %jit3A_63 = arith.constant 0.000000e+00 : f32
      %broadcast_in_dim3A_64 = vector.shape_cast %eq3A_62 : vector<1x1x128xi1> to vector<1x1x128xi1>
      %broadcast_in_dim3A_65 = vector.broadcast %broadcast_in_dim3A_64 : vector<1x1x128xi1> to vector<5x1x128xi1>
      %broadcast_in_dim3A_66 = vector.broadcast %jit3A_63 : f32 to vector<5x1x128xf32>
      %select_n3A_67 = arith.select %broadcast_in_dim3A_65, %get3A_61, %broadcast_in_dim3A_66 : vector<5x1x128xi1>, vector<5x1x128xf32>
      %reduce_sum3A = arith.constant dense<0.000000e+00> : vector<5x1xf32>
      %reduce_sum3A_68 = vector.multi_reduction <add>, %select_n3A_67, %reduce_sum3A [2] : vector<5x1x128xf32> to vector<5x1xf32>
      %slice3A = vector.extract_strided_slice %reduce_sum3A_68 {offsets = [0, 0], sizes = [1, 1], strides = [1, 1]} : vector<5x1xf32> to vector<1x1xf32>
      %slice3A_69 = vector.extract_strided_slice %reduce_sum3A_68 {offsets = [1, 0], sizes = [1, 1], strides = [1, 1]} : vector<5x1xf32> to vector<1x1xf32>
      %slice3A_70 = vector.extract_strided_slice %reduce_sum3A_68 {offsets = [2, 0], sizes = [1, 1], strides = [1, 1]} : vector<5x1xf32> to vector<1x1xf32>
      %slice3A_71 = vector.extract_strided_slice %reduce_sum3A_68 {offsets = [3, 0], sizes = [1, 1], strides = [1, 1]} : vector<5x1xf32> to vector<1x1xf32>
      %slice3A_72 = vector.extract_strided_slice %reduce_sum3A_68 {offsets = [4, 0], sizes = [1, 1], strides = [1, 1]} : vector<5x1xf32> to vector<1x1xf32>
      %get3A_73 = arith.constant 0 : index
      %get3A_74 = arith.constant 0 : index
      %get3A_75 = vector.load %arg3[%get3A_73, %get3A_74] : memref<4x128xf32, #tpu.memory_space<vmem>>, vector<4x128xf32>
      %max3A = vector.broadcast %slice3A : vector<1x1xf32> to vector<4x128xf32>
      %max3A_76 = arith.maximumf %get3A_75, %max3A : vector<4x128xf32>
      %get3A_77 = arith.constant 0 : index
      %get3A_78 = arith.constant 0 : index
      %get3A_79 = vector.load %arg4[%get3A_77, %get3A_78] : memref<4x128xf32, #tpu.memory_space<vmem>>, vector<4x128xf32>
      %max3A_80 = vector.broadcast %slice3A_69 : vector<1x1xf32> to vector<4x128xf32>
      %max3A_81 = arith.maximumf %get3A_79, %max3A_80 : vector<4x128xf32>
      %get3A_82 = arith.constant 0 : index
      %get3A_83 = arith.constant 0 : index
      %get3A_84 = vector.load %arg5[%get3A_82, %get3A_83] : memref<4x128xf32, #tpu.memory_space<vmem>>, vector<4x128xf32>
      %min3A = vector.broadcast %slice3A_70 : vector<1x1xf32> to vector<4x128xf32>
      %min3A_85 = arith.minimumf %get3A_84, %min3A : vector<4x128xf32>
      %get3A_86 = arith.constant 0 : index
      %get3A_87 = arith.constant 0 : index
      %get3A_88 = vector.load %arg6[%get3A_86, %get3A_87] : memref<4x128xf32, #tpu.memory_space<vmem>>, vector<4x128xf32>
      %min3A_89 = vector.broadcast %slice3A_71 : vector<1x1xf32> to vector<4x128xf32>
      %min3A_90 = arith.minimumf %get3A_88, %min3A_89 : vector<4x128xf32>
      %sub3A_91 = arith.subf %min3A_85, %max3A_76 : vector<4x128xf32>
      %max3A_92 = arith.constant 0.000000e+00 : f32
      %max3A_93 = vector.broadcast %max3A_92 : f32 to vector<4x128xf32>
      %max3A_94 = arith.maximumf %sub3A_91, %max3A_93 : vector<4x128xf32>
      %sub3A_95 = arith.subf %min3A_90, %max3A_81 : vector<4x128xf32>
      %max3A_96 = arith.constant 0.000000e+00 : f32
      %max3A_97 = vector.broadcast %max3A_96 : f32 to vector<4x128xf32>
      %max3A_98 = arith.maximumf %sub3A_95, %max3A_97 : vector<4x128xf32>
      %mul3A_99 = arith.mulf %max3A_94, %max3A_98 : vector<4x128xf32>
      %sub3A_100 = arith.subf %slice3A_70, %slice3A : vector<1x1xf32>
      %sub3A_101 = arith.subf %slice3A_71, %slice3A_69 : vector<1x1xf32>
      %mul3A_102 = arith.mulf %sub3A_100, %sub3A_101 : vector<1x1xf32>
      %get3A_103 = arith.constant 0 : index
      %get3A_104 = arith.constant 0 : index
      %get3A_105 = vector.load %arg7[%get3A_103, %get3A_104] : memref<4x128xf32, #tpu.memory_space<vmem>>, vector<4x128xf32>
      %add3A_106 = vector.broadcast %mul3A_102 : vector<1x1xf32> to vector<4x128xf32>
      %add3A_107 = arith.addf %add3A_106, %get3A_105 : vector<4x128xf32>
      %sub3A_108 = arith.subf %add3A_107, %mul3A_99 : vector<4x128xf32>
      %add3A_109 = arith.constant 9.99999997E-7 : f32
      %add3A_110 = vector.broadcast %add3A_109 : f32 to vector<4x128xf32>
      %add3A_111 = arith.addf %sub3A_108, %add3A_110 : vector<4x128xf32>
      %div3A_112 = arith.divf %mul3A_99, %add3A_111 : vector<4x128xf32>
      %ge3A = arith.constant 5.000000e-01 : f32
      %ge3A_113 = vector.broadcast %ge3A : f32 to vector<4x128xf32>
      %ge3A_114 = arith.cmpf oge, %div3A_112, %ge3A_113 : vector<4x128xf32>
      %lt3A_115 = vector.broadcast %while3A_39 : i32 to vector<4x128xi32>
      %lt3A_116 = arith.cmpi slt, %add3A, %lt3A_115 : vector<4x128xi32>
      %and3A_117 = arith.andi %ge3A_114, %lt3A_116 : vector<4x128xi1>
      %reduce_or3A = arith.constant 1.000000e+00 : f32
      %reduce_or3A_118 = arith.constant 0.000000e+00 : f32
      %reduce_or3A_119 = vector.broadcast %reduce_or3A : f32 to vector<4x128xf32>
      %reduce_or3A_120 = vector.broadcast %reduce_or3A_118 : f32 to vector<4x128xf32>
      %reduce_or3A_121 = arith.select %and3A_117, %reduce_or3A_119, %reduce_or3A_120 : vector<4x128xi1>, vector<4x128xf32>
      %reduce_or3A_122 = vector.shape_cast %reduce_or3A_121 : vector<4x128xf32> to vector<1x4x128xf32>
      %reduce_or3A_123 = arith.constant dense<0xFF800000> : vector<1xf32>
      %reduce_or3A_124 = vector.multi_reduction <maximumf>, %reduce_or3A_122, %reduce_or3A_123 [1, 2] : vector<1x4x128xf32> to vector<1xf32>
      %reduce_or3A_125 = vector.shape_cast %reduce_or3A_124 : vector<1xf32> to vector<1x1x1xf32>
      %reduce_or3A_126 = vector.extract %reduce_or3A_125[0, 0, 0] : f32 from vector<1x1x1xf32>
      %reduce_or3A_127 = arith.constant 0.000000e+00 : f32
      %reduce_or3A_128 = arith.cmpf ogt, %reduce_or3A_126, %reduce_or3A_127 : f32
      %not3A = arith.constant true
      %not3A_129 = arith.xori %reduce_or3A_128, %not3A : i1
      %convert_element_type3A_130 = arith.extui %not3A_129 : i1 to i32
      %cond3A = arith.constant 0 : i32
      %cond3A_131 = arith.cmpi ne, %convert_element_type3A_130, %cond3A : i32
      scf.if %cond3A_131 {
        %eq3A_136 = vector.broadcast %while3A_39 : i32 to vector<4x128xi32>
        %eq3A_137 = arith.cmpi eq, %add3A, %eq3A_136 : vector<4x128xi32>
        %get3A_138 = arith.constant 0 : index
        %get3A_139 = arith.constant 0 : index
        %get3A_140 = vector.load %arg3[%get3A_138, %get3A_139] : memref<4x128xf32, #tpu.memory_space<vmem>>, vector<4x128xf32>
        %broadcast_in_dim3A_141 = vector.shape_cast %slice3A : vector<1x1xf32> to vector<1x1xf32>
        %broadcast_in_dim3A_142 = vector.broadcast %broadcast_in_dim3A_141 : vector<1x1xf32> to vector<4x128xf32>
        %select_n3A_143 = arith.select %eq3A_137, %broadcast_in_dim3A_142, %get3A_140 : vector<4x128xi1>, vector<4x128xf32>
        %swap3A_144 = arith.constant 0 : index
        %swap3A_145 = arith.constant 0 : index
        %swap3A_146 = vector.load %arg3[%swap3A_144, %swap3A_145] : memref<4x128xf32, #tpu.memory_space<vmem>>, vector<4x128xf32>
        tpu.vector_store %arg3[%swap3A_144, %swap3A_145], %select_n3A_143 {strides = array<i32>} : memref<4x128xf32, #tpu.memory_space<vmem>>, vector<4x128xf32>,
        %get3A_147 = arith.constant 0 : index
        %get3A_148 = arith.constant 0 : index
        %get3A_149 = vector.load %arg4[%get3A_147, %get3A_148] : memref<4x128xf32, #tpu.memory_space<vmem>>, vector<4x128xf32>
        %broadcast_in_dim3A_150 = vector.shape_cast %slice3A_69 : vector<1x1xf32> to vector<1x1xf32>
        %broadcast_in_dim3A_151 = vector.broadcast %broadcast_in_dim3A_150 : vector<1x1xf32> to vector<4x128xf32>
        %select_n3A_152 = arith.select %eq3A_137, %broadcast_in_dim3A_151, %get3A_149 : vector<4x128xi1>, vector<4x128xf32>
        %swap3A_153 = arith.constant 0 : index
        %swap3A_154 = arith.constant 0 : index
        %swap3A_155 = vector.load %arg4[%swap3A_153, %swap3A_154] : memref<4x128xf32, #tpu.memory_space<vmem>>, vector<4x128xf32>
        tpu.vector_store %arg4[%swap3A_153, %swap3A_154], %select_n3A_152 {strides = array<i32>} : memref<4x128xf32, #tpu.memory_space<vmem>>, vector<4x128xf32>,
        %get3A_156 = arith.constant 0 : index
        %get3A_157 = arith.constant 0 : index
        %get3A_158 = vector.load %arg5[%get3A_156, %get3A_157] : memref<4x128xf32, #tpu.memory_space<vmem>>, vector<4x128xf32>
        %broadcast_in_dim3A_159 = vector.shape_cast %slice3A_70 : vector<1x1xf32> to vector<1x1xf32>
        %broadcast_in_dim3A_160 = vector.broadcast %broadcast_in_dim3A_159 : vector<1x1xf32> to vector<4x128xf32>
        %select_n3A_161 = arith.select %eq3A_137, %broadcast_in_dim3A_160, %get3A_158 : vector<4x128xi1>, vector<4x128xf32>
        %swap3A_162 = arith.constant 0 : index
        %swap3A_163 = arith.constant 0 : index
        %swap3A_164 = vector.load %arg5[%swap3A_162, %swap3A_163] : memref<4x128xf32, #tpu.memory_space<vmem>>, vector<4x128xf32>
        tpu.vector_store %arg5[%swap3A_162, %swap3A_163], %select_n3A_161 {strides = array<i32>} : memref<4x128xf32, #tpu.memory_space<vmem>>, vector<4x128xf32>,
        %get3A_165 = arith.constant 0 : index
        %get3A_166 = arith.constant 0 : index
        %get3A_167 = vector.load %arg6[%get3A_165, %get3A_166] : memref<4x128xf32, #tpu.memory_space<vmem>>, vector<4x128xf32>
        %broadcast_in_dim3A_168 = vector.shape_cast %slice3A_71 : vector<1x1xf32> to vector<1x1xf32>
        %broadcast_in_dim3A_169 = vector.broadcast %broadcast_in_dim3A_168 : vector<1x1xf32> to vector<4x128xf32>
        %select_n3A_170 = arith.select %eq3A_137, %broadcast_in_dim3A_169, %get3A_167 : vector<4x128xi1>, vector<4x128xf32>
        %swap3A_171 = arith.constant 0 : index
        %swap3A_172 = arith.constant 0 : index
        %swap3A_173 = vector.load %arg6[%swap3A_171, %swap3A_172] : memref<4x128xf32, #tpu.memory_space<vmem>>, vector<4x128xf32>
        tpu.vector_store %arg6[%swap3A_171, %swap3A_172], %select_n3A_170 {strides = array<i32>} : memref<4x128xf32, #tpu.memory_space<vmem>>, vector<4x128xf32>,
        %get3A_174 = arith.constant 0 : index
        %get3A_175 = arith.constant 0 : index
        %get3A_176 = vector.load %arg7[%get3A_174, %get3A_175] : memref<4x128xf32, #tpu.memory_space<vmem>>, vector<4x128xf32>
        %broadcast_in_dim3A_177 = vector.shape_cast %mul3A_102 : vector<1x1xf32> to vector<1x1xf32>
        %broadcast_in_dim3A_178 = vector.broadcast %broadcast_in_dim3A_177 : vector<1x1xf32> to vector<4x128xf32>
        %select_n3A_179 = arith.select %eq3A_137, %broadcast_in_dim3A_178, %get3A_176 : vector<4x128xi1>, vector<4x128xf32>
        %swap3A_180 = arith.constant 0 : index
        %swap3A_181 = arith.constant 0 : index
        %swap3A_182 = vector.load %arg7[%swap3A_180, %swap3A_181] : memref<4x128xf32, #tpu.memory_space<vmem>>, vector<4x128xf32>
        tpu.vector_store %arg7[%swap3A_180, %swap3A_181], %select_n3A_179 {strides = array<i32>} : memref<4x128xf32, #tpu.memory_space<vmem>>, vector<4x128xf32>,
        %swap3A_183 = arith.index_cast %while3A_39 : i32 to index
        %swap3A_184 = arith.constant 0 : index
        %swap3A_185 = vector.load %arg1[%swap3A_183, %swap3A_184] : memref<500x5xf32, #tpu.memory_space<vmem>>, vector<1x1xf32>
        tpu.vector_store %arg1[%swap3A_183, %swap3A_184], %slice3A {strides = array<i32>} : memref<500x5xf32, #tpu.memory_space<vmem>>, vector<1x1xf32>,
        %swap3A_186 = arith.index_cast %while3A_39 : i32 to index
        %swap3A_187 = arith.constant 1 : index
        %swap3A_188 = vector.load %arg1[%swap3A_186, %swap3A_187] : memref<500x5xf32, #tpu.memory_space<vmem>>, vector<1x1xf32>
        tpu.vector_store %arg1[%swap3A_186, %swap3A_187], %slice3A_69 {strides = array<i32>} : memref<500x5xf32, #tpu.memory_space<vmem>>, vector<1x1xf32>,
        %swap3A_189 = arith.index_cast %while3A_39 : i32 to index
        %swap3A_190 = arith.constant 2 : index
        %swap3A_191 = vector.load %arg1[%swap3A_189, %swap3A_190] : memref<500x5xf32, #tpu.memory_space<vmem>>, vector<1x1xf32>
        tpu.vector_store %arg1[%swap3A_189, %swap3A_190], %slice3A_70 {strides = array<i32>} : memref<500x5xf32, #tpu.memory_space<vmem>>, vector<1x1xf32>,
        %swap3A_192 = arith.index_cast %while3A_39 : i32 to index
        %swap3A_193 = arith.constant 3 : index
        %swap3A_194 = vector.load %arg1[%swap3A_192, %swap3A_193] : memref<500x5xf32, #tpu.memory_space<vmem>>, vector<1x1xf32>
        tpu.vector_store %arg1[%swap3A_192, %swap3A_193], %slice3A_71 {strides = array<i32>} : memref<500x5xf32, #tpu.memory_space<vmem>>, vector<1x1xf32>,
        %swap3A_195 = arith.index_cast %while3A_39 : i32 to index
        %swap3A_196 = arith.constant 4 : index
        %swap3A_197 = vector.load %arg1[%swap3A_195, %swap3A_196] : memref<500x5xf32, #tpu.memory_space<vmem>>, vector<1x1xf32>
        tpu.vector_store %arg1[%swap3A_195, %swap3A_196], %slice3A_72 {strides = array<i32>} : memref<500x5xf32, #tpu.memory_space<vmem>>, vector<1x1xf32>,
      } else {
      }
      %add3A_132 = arith.constant 1 : i32
      %add3A_133 = arith.addi %while3A_38, %add3A_132 : i32
      %convert_element_type3A_134 = arith.extui %not3A_129 : i1 to i32
      %add3A_135 = arith.addi %while3A_39, %convert_element_type3A_134 : i32
      scf.yield %add3A_133, %add3A_135 : i32, i32
    }
    %lt3A = arith.constant 500 : i32
    %lt3A_34 = arith.cmpi slt, %while3A_33#1, %lt3A : i32
    %convert_element_type3A = arith.extui %lt3A_34 : i1 to i32
    %reshape3A = vector.broadcast %convert_element_type3A : i32 to vector<1x1xi32>
    %swap3A_35 = arith.constant 0 : index
    %swap3A_36 = arith.constant 0 : index
    %swap3A_37 = vector.load %arg2[%swap3A_35, %swap3A_36] : memref<1x1xi32, #tpu.memory_space<vmem>>, vector<1x1xi32>
    tpu.vector_store %arg2[%swap3A_35, %swap3A_36], %reshape3A {strides = array<i32>} : memref<1x1xi32, #tpu.memory_space<vmem>>, vector<1x1xi32>,
    return
  }
}

</mosaic_0001>

<sc_bundles>
// kernel: gather_offload_async_start.1
scs
__scs_entry_jumppad:
0x0: {  	(pc) =	sbr.rel $0x88, $3  }
0x1: {  	(tag) =	ssettag $0x0;
	lr =	simm.s32 $0x1  }
0x2: {  	[smem:$0x3F9F] =	sst lr;
	_ =	strace $0xD0000000  }
0x3: {  	_ = 	snop  }
0x4: {  	_ = 	snop  }
0x5: {  	_ = 	snop  }
0x6: {  	_ = 	snop  }
0x7: {  	_ = 	snop  }
__scs_overlays_trampoline_lowered:
0x8: {  	[smem:$0x3FAE] =	sst s0  }
0x9: {  	[smem:$0x3FAF] =	sst s1  }
0xa: {  	[smem:$0x3FB0] =	sst s2  }
0xb: {  	[smem:$0x3FB1] =	sst s3  }
0xc: {  	[smem:$0x3FB2] =	sst s4  }
0xd: {  	[smem:$0x3FB3] =	sst s5  }
0xe: {  	[smem:$0x3FB4] =	sst s6  }
0xf: {  	[smem:$0x3FB5] =	sst s7  }
0x10: {  	[smem:$0x3FB6] =	sst s8  }
0x11: {  	[smem:$0x3FB7] =	sst s9;
	s0 =	simm.s32 @!p0 $0x0  }
0x12: {  	s1 =	sld [smem:$0x3F9D];
	s0 =	simm.s32 @p0 $0x1  }
0x13: {  	[smem:$0x3FB8] =	sst s0;
	s0 =	simm.s32 @!p1 $0x0  }
0x14: {  	s2 =	sld [smem:$0x3F9C];
	s0 =	simm.s32 @p1 $0x1  }
0x15: {  	[smem:$0x3FB9] =	sst s0;
	s0 =	simm.s32 @!p2 $0x0  }
0x16: {  	s3 =	sld [smem:$0x3FDB];
	s0 =	simm.s32 @p2 $0x1  }
0x17: {  	s4 =	simm.s32 $0x1BF5;
	[smem:$0x3FBB] =	sst s0  }
0x18: {  	s0 =	sld [smem:$0x3F9E];
	_ =	swait.ge [sflag:s4], $0x0  }
0x19: {  	s7 =	sld [smem:$0x3F9F]  }
0x1a: {  	s8 =	sadd.s32 $0xFFFFE003, lr  }
0x1b: {  	s9 =	sadd.s32 $0xFFFFFEF7, lr;
	s5 =	simm.s32 $0xFFFFFFFF;
	p2 =	slt.u32 s8, $0xFFFFF086  }
0x1c: {  	p1 =	slt.u32 s9, $0xF7A;
	s5 =	simm.s32 @!p2 $0x0  }
0x1d: {  	s5 =	simm.s32 @p1 $0x1;
	p0 =	seq.s32 s7, s2  }
0x1e: {  	s7 =	smul.u32 @!p0 $0xF7A, s2;
	p2 =	seq.s32 @!p0 s5, $0x0  }
0x1f: {  	s9 =	smul.u32 $0xF7A, s1;
	s8 =	simm.s32 @!p0 $0x1BF5;
	p2 =	por !p2, p0  }
0x20: {  	[sflag:s8] =	ssyncset.s32 @!p0 $0xFFFFF086;
	s6 =	sadd.s32 @!p0 s3, s7;
	s7 =	simm.s32 @!p0 $0x108  }
0x21: {  	s3 =	sadd.s32 s3, s9;
	s6 =	sadd.s32 @!p0 $0x88, s6;
	s7 =	simm.s32 @p2 $0x1082  }
0x22: {  	[simem:s7], [sflag:s8] =	dma.local @!p0 [hbm:s6], $0xF7A  }
0x23: {  	s9 =	sor.u32 $0xD0000000, s2;
	s6 =	simm.s32 $0x108;
	_ =	swait.ge @!p0 [sflag:s8], $0x0  }
0x24: {  	s3 =	sadd.s32 $0x88, s3;
	s6 =	simm.s32 @!p1 $0x1082;
	[sflag:s4] =	ssyncset.s32 $0xFFFFF086  }
0x25: {  	[simem:s6], [sflag:s4] =	dma.local [hbm:s3], $0xF7A  }
0x26: {  	[smem:$0x3F9F] =	sst s1;
	(tag) =	ssettag s2;
	_ =	strace s9  }
0x27: {  	s1 =	sld [smem:$0x3FAF]  }
0x28: {  	s2 =	sld [smem:$0x3FB0]  }
0x29: {  	s4 =	sld [smem:$0x3FB2]  }
0x2a: {  	p0 =	seq.s32 s5, $0x0;
	s5 =	sld [smem:$0x3FB3]  }
0x2b: {  	s6 =	sld [smem:$0x3FB4]  }
0x2c: {  	s7 =	sld [smem:$0x3FB5]  }
0x2d: {  	s3 =	simm.s32 $0x108;
	s8 =	sld [smem:$0x3FB6]  }
0x2e: {  	s3 =	simm.s32 @!p0 $0x1082;
	s9 =	sld [smem:$0x3FB7]  }
0x2f: {  	lr =	sadd.s32 s0, s3;
	s0 =	sld [smem:$0x3FAE]  }
0x30: {  	s3 =	sld [smem:$0x3FB1]  }
0x31: {  	[smem:$0x3FBA] =	sst s10  }
0x32: {  	s10 =	sld [smem:$0x3FB8];
	_ =	sdelay $0x3  }
0x33: {  	p0 =	seq.s32 s10, $0x1;
	s10 =	sld [smem:$0x3FBA];
	_ =	sdelay $0x3  }
0x34: {  	[smem:$0x3FBA] =	sst s10  }
0x35: {  	s10 =	sld [smem:$0x3FB9];
	_ =	sdelay $0x3  }
0x36: {  	p1 =	seq.s32 s10, $0x1;
	s10 =	sld [smem:$0x3FBA];
	_ =	sdelay $0x3  }
0x37: {  	[smem:$0x3FBA] =	sst s10  }
0x38: {  	s10 =	sld [smem:$0x3FBB]  }
0x39: {  	_ = 	snop;
	(pc) =	sbr.ind lr, $3  }
0x3a: {  	_ = 	snop  }
0x3b: {  	_ = 	snop  }
0x3c: {  	p2 =	seq.s32 s10, $0x1;
	s10 =	sld [smem:$0x3FBA]  }
0x3d: {  	_ =	shalt  }
0x3e: {  	_ =	shalt  }
0x3f: {  	_ =	shalt  }
0x40: {  	_ =	shalt  }
0x41: {  	_ =	shalt  }
0x42: {  	_ =	shalt  }
0x43: {  	_ =	shalt  }
0x44: {  	_ =	shalt  }
0x45: {  	_ =	shalt  }
0x46: {  	_ =	shalt  }
0x47: {  	_ =	shalt  }
0x48: {  	_ =	shalt  }
0x49: {  	_ =	shalt  }
0x4a: {  	_ =	shalt  }
0x4b: {  	_ =	shalt  }
0x4c: {  	_ =	shalt  }
0x4d: {  	_ =	shalt  }
0x4e: {  	_ =	shalt  }
0x4f: {  	_ =	shalt  }
0x50: {  	_ =	shalt  }
0x51: {  	_ =	shalt  }
0x52: {  	_ =	shalt  }
0x53: {  	_ =	shalt  }
0x54: {  	_ =	shalt  }
0x55: {  	_ =	shalt  }
0x56: {  	_ =	shalt  }
0x57: {  	_ =	shalt  }
0x58: {  	_ =	shalt  }
0x59: {  	_ =	shalt  }
0x5a: {  	_ =	shalt  }
0x5b: {  	_ =	shalt  }
0x5c: {  	_ =	shalt  }
0x5d: {  	_ =	shalt  }
0x5e: {  	_ =	shalt  }
0x5f: {  	_ =	shalt  }
0x60: {  	_ =	shalt  }
0x61: {  	_ =	shalt  }
0x62: {  	_ =	shalt  }
0x63: {  	_ =	shalt  }
0x64: {  	_ =	shalt  }
0x65: {  	_ =	shalt  }
0x66: {  	_ =	shalt  }
0x67: {  	_ =	shalt  }
0x68: {  	_ =	shalt  }
0x69: {  	_ =	shalt  }
0x6a: {  	_ =	shalt  }
0x6b: {  	_ =	shalt  }
0x6c: {  	_ =	shalt  }
0x6d: {  	_ =	shalt  }
0x6e: {  	_ =	shalt  }
0x6f: {  	_ =	shalt  }
0x70: {  	_ =	shalt  }
0x71: {  	_ =	shalt  }
0x72: {  	_ =	shalt  }
0x73: {  	_ =	shalt  }
0x74: {  	_ =	shalt  }
0x75: {  	_ =	shalt  }
0x76: {  	_ =	shalt  }
0x77: {  	_ =	shalt  }
0x78: {  	_ =	shalt  }
0x79: {  	_ =	shalt  }
0x7a: {  	_ =	shalt  }
0x7b: {  	_ =	shalt  }
0x7c: {  	_ =	shalt  }
0x7d: {  	_ =	shalt  }
0x7e: {  	_ =	shalt  }
0x7f: {  	_ =	shalt  }
0x80: {  	_ =	shalt  }
0x81: {  	_ =	shalt  }
0x82: {  	_ =	shalt  }
0x83: {  	_ =	shalt  }
0x84: {  	_ =	shalt  }
0x85: {  	_ =	shalt  }
0x86: {  	_ =	shalt  }
0x87: {  	_ =	shalt  }
.Lfunc_end0:
.L_simem_size_0:
called_computation.1_lowered:
.L_overlay_start_0:
0x88: {  	s2 =	sld [smem:$0x3FD9]  }
0x89: {  	s3 =	sld [smem:$0x3FFE];
	_ =	sdelay $0x1  }
0x8a: {  	s1 =	srdreg.scid  }
0x8b: {  	s0 =	sand.u32 $0x1, s1  }
0x8c: {  	s16 =	sshll.u32 s0, $0xA;
	s2 =	sadd.s32 s3, s2  }
0x8d: {  	s2 =	sadd.s32 s2, s16  }
0x8e: {  	[smem:$0x3FC6] =	sst s2  }
0x8f: {  	_ = 	snop  }
0x90: {  	(tm) =	ssettm $0x1  }
0x91: {  	s17 =	sld [smem:$0x3FFB];
	_ =	sdelay $0x3  }
0x92: {  	_ =	strace s17  }
0x93: {  	s2 =	sld [smem:$0x3FFC];
	_ =	sdelay $0x3  }
0x94: {  	_ =	strace s2  }
0x95: {  	s2 =	sld [smem:$0x3FFD];
	_ =	sdelay $0x3  }
0x96: {  	_ =	strace s2  }
0x97: {  	_ =	strace $0x8FFFFFFF  }
0x98: {  	s18 =	sld [smem:$0x3FDB];
	_ =	sdelay $0x1  }
0x99: {  	s19 =	simm.s32 $_scs_section_size  }
0x9a: {  	s4 =	simm.s32 $_size__tile_overlayer_lowered;
	s5 =	simm.s32 $_tile_overlayer_lowered  }
0x9b: {  	s22 =	simm.s32 $0x1BFF;
	s21 =	sshll.u32 s5, $0x1;
	s2 =	sadd.s32 s19, s18  }
0x9c: {  	s6 =	simm.s32 $0x0;
	s20 =	sshll.u32 s4, $0x1;
	s4 =	sadd.s32 s21, s2  }
0x9d: {  	[timem:s6], [sflag:s22] =	dma.local [hbm:s4], s20  }
0x9e: {  	_ =	swait.ge [sflag:s22], s20  }
0x9f: {  	s3 =	ssub.s32 $0x0, s20;
	[sflag:s22] =	ssyncset.done $0x0  }
0xa0: {  	[sflag:s22] =	ssyncadd.s32 s3;
	_ =	sdelay $0x1  }
0xa1: {  	s23 =	simm.s32 $0x1B8B  }
0xa2: {  	_ =	swait.ge [sflag:s23], $0x1  }
0xa3: {  	[sflag:s23] =	ssyncset.done $0x0  }
0xa4: {  	s25 =	simm.s32 $0x1B8E;
	s24 =	sld [smem:$0x3FFE];
	[sflag:s23] =	ssyncadd.s32 $0xFFFFFFFF  }
0xa5: {  	s26 =	simm.s32 $execute0_lowered;
	[smem:$0x3FD2] =	sst s25  }
0xa6: {  	s4 =	sshll.u32 s26, $0x1;
	_ =	strace $0x80000046;
	[dreg:$0x1] =	wrdreg $0xFFFFFFFF  }
0xa7: {  	s28 =	simm.s32 $_size_execute0_lowered;
	s2 =	sadd.s32 s2, s4;
	[dreg:$0x0] =	wrdreg $0x0  }
0xa8: {  	s4 =	sshll.u32 s28, $0x1;
	[dreg:$0x2] =	wrdreg s2  }
0xa9: {  	[dreg:$0x3] =	wrdreg s4  }
0xaa: {  	[dreg:$0x4] =	wrdreg $0xC0  }
0xab: {  	_ =	task [dreg:s6], $0x5FFFF  }
0xac: {  	[dreg:$0x1] =	wrdreg $0xFFFFFFFF  }
0xad: {  	[dreg:$0x0] =	wrdreg $0x60  }
0xae: {  	[dreg:$0x2] =	wrdreg s24  }
0xaf: {  	[dreg:$0x3] =	wrdreg $0xA  }
0xb0: {  	_ =	task.clear_ibuf [dreg:s6], $0x4FFFF;
	_ =	strace $0x90000046  }
0xb1: {  	s29 =	simm.s32 $0xA;
	_ =	strace $0x80000048  }
0xb2: {  	_ =	swait.ge [sflag:s29], $0x1  }
0xb3: {  	[sflag:s29] =	ssyncadd.s32 $0xFFFFFFFF  }
0xb4: {  	_ =	strace $0x90000048  }
0xb5: {  	_ =	sfence  }
0xb6: {  	s30 =	sld [smem:$0x0];
	_ =	sdelay $0x2  }
0xb7: {  	s31 =	sshll.u32 s1, $0xD;
	s1 =	sshrl.u32 s1, $0x2  }
0xb8: {  	s3 =	sand.u32 $0x4000, s31;
	s1 =	sadd.s32 s1, s30  }
0xb9: {  	s0 =	sor.u32 s3, s0;
	s1 =	sshll.u32 s1, $0x11  }
0xba: {  	s0 =	sor.u32 s1, s0  }
0xbb: {  	s0 =	sadd.s32 $0x8F2B, s0  }
0xbc: {  	[sflag:s0] =	ssyncadd.remote.s32 $0x1  }
0xbd: {  	_ =	sfence.sel $0xFFFF  }
0xbe: {  	[dreg:$0x0] =	wrdreg $0xFFFFFFFF;
	(pc) =	sbr.abs _section_cstart, $3  }
0xbf: {  	[dreg:$0x1] =	wrdreg $0xFFFFFFFF  }
0xc0: {  	_ =	task.clear_ibuf [dreg:s6], $0x2FFFF;
	_ =	strace $0x9FFFFFFF  }
0xc1: {  	(tm) =	ssettm $0x7FFFFFFF  }
tec
execute0_lowered:
.L_overlay_start_1:
0x0: {  	(tag) =	ssettag $0x1  }
0x1: {  	s2 =	rddreg [dreg:$0x0]  }
0x2: {  	s0 =	rddreg [dreg:$0x1];
	s1 =	stileid.u32  }
0x3: {  	s3 =	srdreg.scid;
	_ =	strace $0x80000047;
	s4 =	simm.s32 $0x1  }
0x4: {  	s7 =	simm.s32 $0x1;
	s8 =	simm.s32 $0x1;
	s9 =	simm.s32 $0x3  }
0x5: {  	s10 =	simm.s32 $0x0;
	s5 =	sand.u32 $0x1, s3;
	s6 =	sshll.u32 s1, $0x1  }
0x6: {  	s13 =	simm.s32 $0x0;
	s12 =	simm.s32 $0x0;
	s5 =	sor.u32 s6, s5  }
.Ltmp0:
0x7: {  	[sflag:s4] =	ssyncpa.u1 $0x0;
	p0 =	slt.u32 s5, $0x13;
	(pc) =	sbr.rel .LBB2_1-.Ltmp0, $4  }
0x8: {  	s6 =	simm.s32 $0x2;
	s7 =	simm.s32 @!p0 $0x0;
	p0 =	sne.s32 s5, $0x12  }
0x9: {  	[sflag:s6] =	ssyncpa.u1 $0x0;
	s5 =	smul.u32 $0x190, s5;
	s8 =	simm.s32 @!p0 $0x0  }
0xa: {  	s3 =	sadd.s32 $0x1400, s2;
	[sflag:s9] =	ssyncpa.u1 $0x0;
	s7 =	sadd.s32 s8, s7  }
0xb: {  	vm0 =	vmmov $0xffff;
	s8 =	sadd.s32 $0x1E00, s2;
	s11 =	smov.u32 s5;
	s9 =	sadd.s32 $0x1, s7  }
.LBB2_4:
0xc: {  	v2 =	vnsel vm1, $0x0, v2  }
0xd: {  	vm1 =	vgt.s32 v0, $0x0;
	v2 =	vmin.u32 v2, $0x4E1F  }
0xe: {  	v0 =	vnsel vm1, $0x0, v0  }
0xf: {  	v0 =	vmin.u32 v0, $0x4E1F  }
0x10: {  	[tilespmem:s18], [sflag:$0x1] =	stream.indirect_vreg.gather [hbm4b:s2+s10], $0x1, v1, vm0, $0x4038;
	[tilespmem:$0x640] =	vst v63  }
0x11: {  	(ifvalue) =	ssetifvalue $0x7FFFFFFF  }
0x12: {  	[tilespmem:s15], [sflag:$0x1] =	stream.indirect_vreg.gather [hbm4b:s2+s10], $0x1, v2, vm0, $0x4038;
	[tilespmem:$0x640] =	vst v63  }
0x13: {  	s29 =	sadd.s32 $0x10, s15;
	(ifvalue) =	ssetifvalue $0x7FFFFFFF  }
0x14: {  	[tilespmem:s29], [sflag:$0x1] =	stream.indirect_vreg.gather [hbm4b:s2+s10], $0x1, v0, vm0, $0x4038;
	[tilespmem:$0x640] =	vst v63  }
0x15: {  	_ =	swait.ge [sflag:s4], $0x190  }
0x16: {  	s30 =	sshrl.u32 s13, $0x3;
	[sflag:s4] =	ssyncset.done $0x0  }
0x17: {  	s31 =	sand.u32 $0x7, s13;
	s15 =	sadd.s32 s8, s30;
	[sflag:s4] =	ssyncadd.s32 $0xFFFFFE70  }
0x18: {  	[hbm4b:s15+s31] =	stream.linear.scatter [tilespmem:s14], [sflag:$0x3], $0x190, $0x38;
	[tilespmem:$0x640] =	vst v63  }
.LBB2_5:
0x19: {  	s15 =	sadd.s32 $0x3200, s11  }
0x1a: {  	p1 =	sgt.s32 s15, $0x4E1F  }
0x1b: {  	s15 =	smov.u32 @p1 s5;
	p1 =	sne.s32 s12, s9  }
.Ltmp1:
0x1c: {  	p0 =	slt.u32 s12, $0x2;
	(pc) =	sbr.rel @!p1 .LBB2_6-.Ltmp1, $4  }
0x1d: {  	s14 =	simm.s32 @!p0 $0x3  }
0x1e: {  	_ =	swait.ge @!p0 [sflag:s14], $0x190  }
0x1f: {  	s16 =	sadd.s32 $0x1, s12;
	s13 =	smov.u32 s11;
	[sflag:s14] =	ssyncset.done @!p0 $0x0  }
0x20: {  	s12 =	smov.u32 s16;
	s11 =	smov.u32 s15;
	[sflag:s14] =	ssyncadd.s32 @!p0 $0xFFFFFE70  }
.LBB2_1:
0x21: {  	p0 =	sge.u32 s12, s7  }
0x22: {  	s14 =	sxor.u32 @!p0 $0x1, s12  }
0x23: {  	s14 =	smul.u32 @!p0 $0x640, s14  }
0x24: {  	s31 =	sadd.s32 $0xFFFFFFFF, s12;
	s15 =	sshrl.u32 @!p0 s11, $0x3  }
0x25: {  	s16 =	sand.u32 @!p0 $0x7, s11;
	s15 =	sadd.s32 @!p0 s3, s15;
	s14 =	sshra.s32 @!p0 s14, $0x2  }
0x26: {  	[tilespmem:s14], [sflag:$0x2] =	stream.linear.gather @!p0 [hbm4b:s15+s16], $0x190, $0x38;
	[tilespmem:$0x640] =	vst v63  }
0x27: {  	p0 =	sge.u32 s31, s7  }
.Ltmp2:
0x28: {  	_ = 	snop;
	(pc) =	sbr.rel @p0 .LBB2_5-.Ltmp2, $1  }
0x29: {  	_ =	sdelay $0x3  }
0x2a: {  	s14 =	sand.u32 $0x1, s12  }
0x2b: {  	_ =	swait.ge [sflag:s6], $0x190;
	p0 =	seq.s32 s14, $0x1;
	s14 =	simm.s32 $0x190  }
0x2c: {  	[sflag:s6] =	ssyncset.done $0x0;
	s14 =	simm.s32 @!p0 $0x0  }
0x2d: {  	[sflag:s6] =	ssyncadd.s32 $0xFFFFFE70;
	(ifvalue) =	ssetifvalue $0x7FFFFFFF;
	v0 =	vld.msk [tilespmem:s14+$0x0 ss:$0x1], $0xffff;
	_ =	sdelay $0x4  }
0x2e: {  	s15 =	sadd.s32 $0x10, s14;
	vm1 =	vgt.s32 v0, $0x0  }
0x2f: {  	v2 =	vld.msk [tilespmem:s15+$0x0 ss:$0x1], $0xffff;
	v1 =	vnsel vm1, $0x0, v0  }
0x30: {  	v1 =	vmin.u32 v1, $0x4E1F;
	_ =	sdelay $0x2  }
0x31: {  	s17 =	simm.s32 $0x20;
	s14 =	sadd.s32 $0x320, s14;
	s16 =	sadd.s32 $0x10, s15  }
0x32: {  	s15 =	sadd.s32 $0x10, s14;
	s18 =	smov.u32 s14;
	v0 =	vld.msk [tilespmem:s16+$0x0 ss:$0x1], $0xffff;
	vm1 =	vgt.s32 v2, $0x0;
	(ifvalue) =	ssetifvalue $0x7FFFFFFF  }
.LBB2_3:
0x33: {  	[tilespmem:s18], [sflag:$0x1] =	stream.indirect_vreg.gather [hbm4b:s2+s10], $0x1, v1, vm0, $0x4038;
	[tilespmem:$0x640] =	vst v63  }
0x34: {  	s17 =	sadd.s32 $0x10, s17  }
0x35: {  	v2 =	vnsel vm1, $0x0, v2;
	p0 =	slt.u32 s17, $0x180  }
.Ltmp3:
0x36: {  	s18 =	smov.u32 s15;
	v1 =	vmin.u32 v2, $0x4E1F;
	(pc) =	sbr.rel @p0 .LBB2_3-.Ltmp3, $3  }
0x37: {  	_ =	sdelay $0x1  }
0x38: {  	s16 =	sadd.s32 $0x10, s16  }
0x39: {  	vm1 =	vgt.s32 v0, $0x0;
	s15 =	sadd.s32 $0x10, s15;
	v2 =	vmov v0;
	(ifvalue) =	ssetifvalue $0x7FFFFFFF;
	v0 =	vld.msk [tilespmem:s16+$0x0 ss:$0x1], $0xffff  }
.Ltmp4:
0x3a: {  	_ = 	snop;
	(pc) =	sbr.rel .LBB2_4-.Ltmp4, $1  }
0x3b: {  	_ =	sdelay $0x3  }
.LBB2_6:
0x3c: {  	_ =	sfence.sel $0x180000  }
0x3d: {  	s2 =	simm.s32 $0x2;
	[bflag:$0x0] =	sbarrier.arrive $0xFFFF  }
0x3e: {  	s30 =	simm.s32 $0x3;
	[sflag:s2] =	ssyncpa.u1 $0x1  }
0x3f: {  	s31 =	simm.s32 $0x1;
	[sflag:s30] =	ssyncpa.u1 $0x1  }
0x40: {  	[sflag:s31] =	ssyncpa.u1 $0x1  }
0x41: {  	p0 =	sne.s32 s1, $0x0;
	_ =	strace $0x90000047  }
0x42: {  	s0 =	sadd.s32 @!p0 $0x100000, s0;
	[bflag:$0x2] =	sbarrier.arrive $0xFFFF  }
0x43: {  	[sflag:s0] =	ssyncadd.tile.s32 @!p0 $0x1;
	_ =	shalt  }
.Lfunc_end2:
_tile_overlayer_lowered:
.L_overlay_start_2:
0x44: {  	(tag) =	ssettag $0x2  }
0x45: {  	s0 =	rddreg [dreg:$0x0];
	s2 =	stileid.u32  }
0x46: {  	s1 =	rddreg [dreg:$0x1];
	p0 =	sne.s32 s2, $0x0  }
0x47: {  	s3 =	rddreg [dreg:$0x2];
	[bflag:$0x3] =	sbarrier.arrive $0xFFFF;
	s2 =	simm.s32 @!p0 $0x1C01  }
0x48: {  	[timem:s3], [sflag:s2] =	dma.local @!p0 [hbm:s0], s1  }
0x49: {  	s0 =	simm.s32 @!p0 $0x1  }
0x4a: {  	_ =	swait.ge @!p0 [sflag:s0], s1  }
0x4b: {  	s1 =	ssub.s32 @!p0 $0x0, s1;
	[sflag:s0] =	ssyncset.done @!p0 $0x0  }
0x4c: {  	[sflag:s0] =	ssyncadd.s32 @!p0 s1  }
0x4d: {  	[bflag:$0x3] =	sbarrier.arrive $0xFFFF  }
0x4e: {  	_ =	shalt  }

// kernel: gather_offload_async_start
scs
__scs_entry_jumppad:
0x0: {  	(pc) =	sbr.rel $0x88, $3  }
0x1: {  	(tag) =	ssettag $0x0;
	lr =	simm.s32 $0x1  }
0x2: {  	[smem:$0x3F9F] =	sst lr;
	_ =	strace $0xD0000000  }
0x3: {  	_ = 	snop  }
0x4: {  	_ = 	snop  }
0x5: {  	_ = 	snop  }
0x6: {  	_ = 	snop  }
0x7: {  	_ = 	snop  }
__scs_overlays_trampoline_lowered:
0x8: {  	[smem:$0x3FAE] =	sst s0  }
0x9: {  	[smem:$0x3FAF] =	sst s1  }
0xa: {  	[smem:$0x3FB0] =	sst s2  }
0xb: {  	[smem:$0x3FB1] =	sst s3  }
0xc: {  	[smem:$0x3FB2] =	sst s4  }
0xd: {  	[smem:$0x3FB3] =	sst s5  }
0xe: {  	[smem:$0x3FB4] =	sst s6  }
0xf: {  	[smem:$0x3FB5] =	sst s7  }
0x10: {  	[smem:$0x3FB6] =	sst s8  }
0x11: {  	[smem:$0x3FB7] =	sst s9;
	s0 =	simm.s32 @!p0 $0x0  }
0x12: {  	s1 =	sld [smem:$0x3F9D];
	s0 =	simm.s32 @p0 $0x1  }
0x13: {  	[smem:$0x3FB8] =	sst s0;
	s0 =	simm.s32 @!p1 $0x0  }
0x14: {  	s2 =	sld [smem:$0x3F9C];
	s0 =	simm.s32 @p1 $0x1  }
0x15: {  	[smem:$0x3FB9] =	sst s0;
	s0 =	simm.s32 @!p2 $0x0  }
0x16: {  	s3 =	sld [smem:$0x3FDB];
	s0 =	simm.s32 @p2 $0x1  }
0x17: {  	s4 =	simm.s32 $0x1BF5;
	[smem:$0x3FBB] =	sst s0  }
0x18: {  	s0 =	sld [smem:$0x3F9E];
	_ =	swait.ge [sflag:s4], $0x0  }
0x19: {  	s7 =	sld [smem:$0x3F9F]  }
0x1a: {  	s8 =	sadd.s32 $0xFFFFE003, lr  }
0x1b: {  	s9 =	sadd.s32 $0xFFFFFEF7, lr;
	s5 =	simm.s32 $0xFFFFFFFF;
	p2 =	slt.u32 s8, $0xFFFFF086  }
0x1c: {  	p1 =	slt.u32 s9, $0xF7A;
	s5 =	simm.s32 @!p2 $0x0  }
0x1d: {  	s5 =	simm.s32 @p1 $0x1;
	p0 =	seq.s32 s7, s2  }
0x1e: {  	s7 =	smul.u32 @!p0 $0xF7A, s2;
	p2 =	seq.s32 @!p0 s5, $0x0  }
0x1f: {  	s9 =	smul.u32 $0xF7A, s1;
	s8 =	simm.s32 @!p0 $0x1BF5;
	p2 =	por !p2, p0  }
0x20: {  	[sflag:s8] =	ssyncset.s32 @!p0 $0xFFFFF086;
	s6 =	sadd.s32 @!p0 s3, s7;
	s7 =	simm.s32 @!p0 $0x108  }
0x21: {  	s3 =	sadd.s32 s3, s9;
	s6 =	sadd.s32 @!p0 $0x88, s6;
	s7 =	simm.s32 @p2 $0x1082  }
0x22: {  	[simem:s7], [sflag:s8] =	dma.local @!p0 [hbm:s6], $0xF7A  }
0x23: {  	s9 =	sor.u32 $0xD0000000, s2;
	s6 =	simm.s32 $0x108;
	_ =	swait.ge @!p0 [sflag:s8], $0x0  }
0x24: {  	s3 =	sadd.s32 $0x88, s3;
	s6 =	simm.s32 @!p1 $0x1082;
	[sflag:s4] =	ssyncset.s32 $0xFFFFF086  }
0x25: {  	[simem:s6], [sflag:s4] =	dma.local [hbm:s3], $0xF7A  }
0x26: {  	[smem:$0x3F9F] =	sst s1;
	(tag) =	ssettag s2;
	_ =	strace s9  }
0x27: {  	s1 =	sld [smem:$0x3FAF]  }
0x28: {  	s2 =	sld [smem:$0x3FB0]  }
0x29: {  	s4 =	sld [smem:$0x3FB2]  }
0x2a: {  	p0 =	seq.s32 s5, $0x0;
	s5 =	sld [smem:$0x3FB3]  }
0x2b: {  	s6 =	sld [smem:$0x3FB4]  }
0x2c: {  	s7 =	sld [smem:$0x3FB5]  }
0x2d: {  	s3 =	simm.s32 $0x108;
	s8 =	sld [smem:$0x3FB6]  }
0x2e: {  	s3 =	simm.s32 @!p0 $0x1082;
	s9 =	sld [smem:$0x3FB7]  }
0x2f: {  	lr =	sadd.s32 s0, s3;
	s0 =	sld [smem:$0x3FAE]  }
0x30: {  	s3 =	sld [smem:$0x3FB1]  }
0x31: {  	[smem:$0x3FBA] =	sst s10  }
0x32: {  	s10 =	sld [smem:$0x3FB8];
	_ =	sdelay $0x3  }
0x33: {  	p0 =	seq.s32 s10, $0x1;
	s10 =	sld [smem:$0x3FBA];
	_ =	sdelay $0x3  }
0x34: {  	[smem:$0x3FBA] =	sst s10  }
0x35: {  	s10 =	sld [smem:$0x3FB9];
	_ =	sdelay $0x3  }
0x36: {  	p1 =	seq.s32 s10, $0x1;
	s10 =	sld [smem:$0x3FBA];
	_ =	sdelay $0x3  }
0x37: {  	[smem:$0x3FBA] =	sst s10  }
0x38: {  	s10 =	sld [smem:$0x3FBB]  }
0x39: {  	_ = 	snop;
	(pc) =	sbr.ind lr, $3  }
0x3a: {  	_ = 	snop  }
0x3b: {  	_ = 	snop  }
0x3c: {  	p2 =	seq.s32 s10, $0x1;
	s10 =	sld [smem:$0x3FBA]  }
0x3d: {  	_ =	shalt  }
0x3e: {  	_ =	shalt  }
0x3f: {  	_ =	shalt  }
0x40: {  	_ =	shalt  }
0x41: {  	_ =	shalt  }
0x42: {  	_ =	shalt  }
0x43: {  	_ =	shalt  }
0x44: {  	_ =	shalt  }
0x45: {  	_ =	shalt  }
0x46: {  	_ =	shalt  }
0x47: {  	_ =	shalt  }
0x48: {  	_ =	shalt  }
0x49: {  	_ =	shalt  }
0x4a: {  	_ =	shalt  }
0x4b: {  	_ =	shalt  }
0x4c: {  	_ =	shalt  }
0x4d: {  	_ =	shalt  }
0x4e: {  	_ =	shalt  }
0x4f: {  	_ =	shalt  }
0x50: {  	_ =	shalt  }
0x51: {  	_ =	shalt  }
0x52: {  	_ =	shalt  }
0x53: {  	_ =	shalt  }
0x54: {  	_ =	shalt  }
0x55: {  	_ =	shalt  }
0x56: {  	_ =	shalt  }
0x57: {  	_ =	shalt  }
0x58: {  	_ =	shalt  }
0x59: {  	_ =	shalt  }
0x5a: {  	_ =	shalt  }
0x5b: {  	_ =	shalt  }
0x5c: {  	_ =	shalt  }
0x5d: {  	_ =	shalt  }
0x5e: {  	_ =	shalt  }
0x5f: {  	_ =	shalt  }
0x60: {  	_ =	shalt  }
0x61: {  	_ =	shalt  }
0x62: {  	_ =	shalt  }
0x63: {  	_ =	shalt  }
0x64: {  	_ =	shalt  }
0x65: {  	_ =	shalt  }
0x66: {  	_ =	shalt  }
0x67: {  	_ =	shalt  }
0x68: {  	_ =	shalt  }
0x69: {  	_ =	shalt  }
0x6a: {  	_ =	shalt  }
0x6b: {  	_ =	shalt  }
0x6c: {  	_ =	shalt  }
0x6d: {  	_ =	shalt  }
0x6e: {  	_ =	shalt  }
0x6f: {  	_ =	shalt  }
0x70: {  	_ =	shalt  }
0x71: {  	_ =	shalt  }
0x72: {  	_ =	shalt  }
0x73: {  	_ =	shalt  }
0x74: {  	_ =	shalt  }
0x75: {  	_ =	shalt  }
0x76: {  	_ =	shalt  }
0x77: {  	_ =	shalt  }
0x78: {  	_ =	shalt  }
0x79: {  	_ =	shalt  }
0x7a: {  	_ =	shalt  }
0x7b: {  	_ =	shalt  }
0x7c: {  	_ =	shalt  }
0x7d: {  	_ =	shalt  }
0x7e: {  	_ =	shalt  }
0x7f: {  	_ =	shalt  }
0x80: {  	_ =	shalt  }
0x81: {  	_ =	shalt  }
0x82: {  	_ =	shalt  }
0x83: {  	_ =	shalt  }
0x84: {  	_ =	shalt  }
0x85: {  	_ =	shalt  }
0x86: {  	_ =	shalt  }
0x87: {  	_ =	shalt  }
.Lfunc_end0:
.L_simem_size_0:
called_computation_lowered:
.L_overlay_start_0:
0x88: {  	s2 =	sld [smem:$0x3FD9]  }
0x89: {  	s3 =	sld [smem:$0x3FFE];
	_ =	sdelay $0x1  }
0x8a: {  	s1 =	srdreg.scid  }
0x8b: {  	s0 =	sand.u32 $0x1, s1  }
0x8c: {  	s17 =	sshll.u32 s0, $0xA;
	s2 =	sadd.s32 s3, s2  }
0x8d: {  	s2 =	sadd.s32 s2, s17  }
0x8e: {  	[smem:$0x3FC6] =	sst s2  }
0x8f: {  	_ = 	snop  }
0x90: {  	(tm) =	ssettm $0x1  }
0x91: {  	s18 =	sld [smem:$0x3FFB];
	_ =	sdelay $0x3  }
0x92: {  	_ =	strace s18  }
0x93: {  	s2 =	sld [smem:$0x3FFC];
	_ =	sdelay $0x3  }
0x94: {  	_ =	strace s2  }
0x95: {  	s2 =	sld [smem:$0x3FFD];
	_ =	sdelay $0x3  }
0x96: {  	_ =	strace s2  }
0x97: {  	_ =	strace $0x8FFFFFFF  }
0x98: {  	s19 =	sld [smem:$0x3FDB];
	_ =	sdelay $0x1  }
0x99: {  	s20 =	simm.s32 $_scs_section_size  }
0x9a: {  	s4 =	simm.s32 $_size__tile_overlayer_lowered;
	s5 =	simm.s32 $_tile_overlayer_lowered  }
0x9b: {  	s6 =	simm.s32 $0x1BFF;
	s21 =	sshll.u32 s5, $0x1;
	s3 =	sadd.s32 s20, s19  }
0x9c: {  	s22 =	simm.s32 $0x0;
	s4 =	sshll.u32 s4, $0x1;
	s5 =	sadd.s32 s21, s3  }
0x9d: {  	[timem:s22], [sflag:s6] =	dma.local [hbm:s5], s4  }
0x9e: {  	_ =	swait.ge [sflag:s6], s4  }
0x9f: {  	s4 =	ssub.s32 $0x0, s4;
	[sflag:s6] =	ssyncset.done $0x0  }
0xa0: {  	[sflag:s6] =	ssyncadd.s32 s4;
	_ =	sdelay $0x1  }
0xa1: {  	s23 =	simm.s32 $0x1B8B  }
0xa2: {  	_ =	swait.ge [sflag:s23], $0x1  }
0xa3: {  	[sflag:s23] =	ssyncset.done $0x0  }
0xa4: {  	[sflag:s23] =	ssyncadd.s32 $0xFFFFFFFF  }
0xa5: {  	s4 =	sld [smem:$0x0]  }
0xa6: {  	s5 =	sand.u32 $0xFFFFFFFE, s1  }
0xa7: {  	p0 =	sne.s32 s1, s5  }
0xa8: {  	s5 =	sshll.u32 @p0 s5, $0xE  }
0xa9: {  	s5 =	sadd.s32 @p0 $0x11B8D, s5;
	s6 =	sshll.u32 @p0 s4, $0x11  }
0xaa: {  	s5 =	sor.u32 @p0 s6, s5  }
0xab: {  	[sflag:s5] =	ssyncadd.remote.s32 @p0 $0x1;
	_ =	sdelay $0x1  }
0xac: {  	s5 =	simm.s32 @p0 $0x1B8D  }
0xad: {  	_ =	swait.eq @p0 [sflag:s5], $0x1  }
0xae: {  	[sflag:s5] =	ssyncadd.s32 @p0 $0xFFFFFFFF  }
0xaf: {  	s6 =	sshll.u32 @!p0 s1, $0xE  }
0xb0: {  	s6 =	sor.u32 @!p0 $0x4000, s6;
	s5 =	simm.s32 @!p0 $0x1B8D  }
0xb1: {  	s4 =	sshll.u32 @!p0 s4, $0x11;
	s6 =	sadd.s32 @!p0 $0x11B8D, s6;
	_ =	swait.eq @!p0 [sflag:s5], $0x1  }
0xb2: {  	s4 =	sor.u32 @!p0 s4, s6;
	[sflag:s5] =	ssyncadd.s32 @!p0 $0xFFFFFFFF  }
0xb3: {  	s25 =	simm.s32 $0x1B8E;
	s24 =	sld [smem:$0x3FFE];
	[sflag:s4] =	ssyncadd.remote.s32 @!p0 $0x1  }
0xb4: {  	s26 =	simm.s32 $execute0_lowered;
	[smem:$0x3FD2] =	sst s25  }
0xb5: {  	s5 =	sshll.u32 s26, $0x1;
	_ =	strace $0x80000049;
	[dreg:$0x1] =	wrdreg $0xFFFFFFFF  }
0xb6: {  	s28 =	simm.s32 $_size_execute0_lowered;
	s3 =	sadd.s32 s3, s5;
	[dreg:$0x0] =	wrdreg $0x0  }
0xb7: {  	s5 =	sshll.u32 s28, $0x1;
	[dreg:$0x2] =	wrdreg s3  }
0xb8: {  	[dreg:$0x3] =	wrdreg s5  }
0xb9: {  	[dreg:$0x4] =	wrdreg $0xC0  }
0xba: {  	_ =	task [dreg:s22], $0x5FFFF  }
0xbb: {  	[dreg:$0x1] =	wrdreg $0xFFFFFFFF  }
0xbc: {  	[dreg:$0x0] =	wrdreg $0x60  }
0xbd: {  	[dreg:$0x2] =	wrdreg s24  }
0xbe: {  	[dreg:$0x3] =	wrdreg $0x9  }
0xbf: {  	_ =	task.clear_ibuf [dreg:s22], $0x4FFFF;
	_ =	strace $0x90000049  }
0xc0: {  	s29 =	simm.s32 $0x9;
	_ =	strace $0x8000004B  }
0xc1: {  	_ =	swait.ge [sflag:s29], $0x1  }
0xc2: {  	[sflag:s29] =	ssyncadd.s32 $0xFFFFFFFF  }
0xc3: {  	_ =	strace $0x9000004B  }
0xc4: {  	_ =	sfence  }
0xc5: {  	s30 =	sld [smem:$0x0];
	_ =	sdelay $0x2  }
0xc6: {  	s31 =	sshll.u32 s1, $0xD;
	s1 =	sshrl.u32 s1, $0x2  }
0xc7: {  	s4 =	sand.u32 $0x4000, s31;
	s1 =	sadd.s32 s1, s30  }
0xc8: {  	s0 =	sor.u32 s4, s0;
	s1 =	sshll.u32 s1, $0x11  }
0xc9: {  	s0 =	sor.u32 s1, s0  }
0xca: {  	s0 =	sadd.s32 $0x8F2B, s0  }
0xcb: {  	[sflag:s0] =	ssyncadd.remote.s32 $0x1  }
0xcc: {  	_ =	sfence.sel $0xFFFF  }
0xcd: {  	[dreg:$0x0] =	wrdreg $0xFFFFFFFF;
	(pc) =	sbr.abs _section_cstart, $3  }
0xce: {  	[dreg:$0x1] =	wrdreg $0xFFFFFFFF  }
0xcf: {  	_ =	task.clear_ibuf [dreg:s22], $0x2FFFF;
	_ =	strace $0x9FFFFFFF  }
0xd0: {  	(tm) =	ssettm $0x7FFFFFFF  }
0xd1: {  	_ =	shalt  }
tec
execute0_lowered:
.L_overlay_start_1:
0x0: {  	(tag) =	ssettag $0x1  }
0x1: {  	s0 =	srdreg.scid  }
0x2: {  	s1 =	sshll.u32 s0, $0x4  }
0x3: {  	s0 =	stileid.u32;
	s1 =	sand.u32 $0x10, s1  }
0x4: {  	s2 =	sor.u32 s0, s1  }
0x5: {  	s1 =	smin.u32 s2, $0x12  }
0x6: {  	s1 =	sadd.s32 s2, s1  }
0x7: {  	p0 =	slt.u32 s2, $0x12;
	s2 =	simm.s32 $0x320;
	s1 =	smul.u32 $0x190, s1  }
0x8: {  	s2 =	simm.s32 @!p0 $0x190  }
0x9: {  	s2 =	sadd.s32 s2, s1  }
0xa: {  	s3 =	smin.u32 s2, $0x4E20  }
0xb: {  	s7 =	ssub.s32 s3, s1  }
0xc: {  	p0 =	sgt.s32 s7, $0x0  }
0xd: {  	s7 =	simm.s32 @!p0 $0x0  }
0xe: {  	s31 =	sand.u32 $0xFFF0, s7  }
0xf: {  	s2 =	sshrl.u32 s31, $0x4  }
0x10: {  	s2 =	smul.u32 $0xA3E, s2  }
0x11: {  	s9 =	rddreg [dreg:$0x0];
	s6 =	simm.s32 $0x1;
	s11 =	simm.s32 $0x3  }
0x12: {  	s13 =	simm.s32 $0x0;
	s12 =	simm.s32 $0x0;
	s8 =	sshrl.u32 s2, $0x10  }
0x13: {  	s4 =	sadd.s32 $0x2800, s9;
	s5 =	sadd.s32 $0x1400, s9;
	s10 =	smul.u32 $0x190, s8  }
.Ltmp0:
0x14: {  	s9 =	sadd.s32 $0x50A00, s9;
	s2 =	rddreg [dreg:$0x1];
	(pc) =	sbr.rel .LBB2_1-.Ltmp0, $4  }
0x15: {  	_ =	strace $0x8000004A;
	p0 =	sne.s32 s7, s10;
	s10 =	simm.s32 $0x1  }
0x16: {  	[sflag:s6] =	ssyncpa.u1 $0x0;
	s7 =	simm.s32 $0x2;
	s10 =	simm.s32 @!p0 $0x0  }
0x17: {  	[sflag:s7] =	ssyncpa.u1 $0x0;
	p0 =	por $0x0, $0x0;
	s8 =	sadd.s32 s8, s10  }
0x18: {  	vm0 =	vmmov $0xff;
	vm1 =	vcmask $0x3F20;
	[sflag:s11] =	ssyncpa.u1 $0x0;
	s11 =	smov.u32 s1;
	s10 =	sadd.s32 $0x1, s8  }
.LBB2_6:
0x19: {  	[hbm:s17] =	stream.linear.scatter [tilespmem:s14], [sflag:$0x3], $0x400, $0x38;
	[tilespmem:$0x19320] =	vst v63  }
.LBB2_7:
0x1a: {  	s13 =	sadd.s32 $0x190, s11  }
0x1b: {  	s15 =	smov.u32 s1;
	p2 =	slt.s32 s13, s3  }
0x1c: {  	s15 =	smov.u32 @p2 s13;
	p2 =	sne.s32 s12, s10  }
.Ltmp1:
0x1d: {  	p1 =	slt.u32 s12, $0x2;
	(pc) =	sbr.rel @!p2 .LBB2_8-.Ltmp1, $4  }
0x1e: {  	s14 =	simm.s32 @!p1 $0x3  }
0x1f: {  	s16 =	sadd.s32 $0x1, s12;
	_ =	swait.ge @!p1 [sflag:s14], $0xC800  }
0x20: {  	p0 =	por !p0, !p0;
	s13 =	smov.u32 s11;
	[sflag:s14] =	ssyncset.done @!p1 $0x0  }
0x21: {  	s12 =	smov.u32 s16;
	s11 =	smov.u32 s15;
	[sflag:s14] =	ssyncadd.s32 @!p1 $0xFFFF3800  }
.LBB2_1:
0x22: {  	p1 =	sge.u32 s12, s8  }
0x23: {  	s14 =	sxor.u32 @!p1 $0xFFFFFFFF, s12  }
0x24: {  	s14 =	sand.u32 @!p1 $0x1, s14  }
0x25: {  	s14 =	smul.u32 @!p1 $0x640, s14  }
0x26: {  	s31 =	sadd.s32 $0xFFFFFFFF, s12;
	s15 =	sshrl.u32 @!p1 s11, $0x3  }
0x27: {  	s16 =	sand.u32 @!p1 $0x7, s11;
	s15 =	sadd.s32 @!p1 s5, s15;
	s14 =	sshrl.u32 @!p1 s14, $0x2  }
0x28: {  	[tilespmem:s14], [sflag:$0x2] =	stream.linear.gather @!p1 [hbm4b:s15+s16], $0x190, $0x38;
	[tilespmem:$0x19320] =	vst v63  }
0x29: {  	p1 =	sge.u32 s31, s8  }
.Ltmp2:
0x2a: {  	_ = 	snop;
	(pc) =	sbr.rel @p1 .LBB2_7-.Ltmp2, $1  }
0x2b: {  	_ =	sdelay $0x3  }
0x2c: {  	s14 =	simm.s32 $0x1  }
0x2d: {  	s14 =	simm.s32 @!p0 $0x0  }
0x2e: {  	s15 =	smul.u32 $0x640, s14  }
0x2f: {  	_ =	swait.ge [sflag:s7], $0x190  }
0x30: {  	[sflag:s7] =	ssyncset.done $0x0;
	s16 =	sshrl.u32 s15, $0x2  }
0x31: {  	[sflag:s7] =	ssyncadd.s32 $0xFFFFFE70;
	s15 =	sadd.s32 $0x0, s16  }
0x32: {  	v0 =	vld.msk [tilespmem:s15+$0x0 ss:$0x1], $0xffff;
	_ =	sdelay $0x4  }
0x33: {  	vm2 =	vgt.s32 v0, $0x0  }
0x34: {  	v0 =	vnsel vm2, $0x0, v0  }
0x35: {  	v0 =	vmin.u32 v0, $0x4E1F  }
0x36: {  	v0 =	vshll.u32 v0, $0x4  }
0x37: {  	s14 =	smul.u32 $0x32000, s14;
	_ =	sdelay $0x1  }
0x38: {  	s14 =	sshrl.u32 s14, $0x2  }
0x39: {  	s14 =	sor.u32 $0x320, s14  }
0x3a: {  	[tilespmem:s14], [sflag:$0x1] =	stream.indirect_vreg.gather [hbm:s4], $0x80, v0, vm0, $0x38;
	[tilespmem:$0x19320] =	vst v63  }
0x3b: {  	s17 =	sadd.s32 $0x10, s16;
	s15 =	sadd.s32 $0x400, s14  }
0x3c: {  	[tilespmem:s15], [sflag:$0x1] =	stream.indirect_vreg.gather [hbm:s4], $0x80, v0, vm1, $0x38;
	[tilespmem:$0x19320] =	vst v63  }
0x3d: {  	s18 =	simm.s32 $0x80;
	v0 =	vld.msk [tilespmem:s17+$0x0 ss:$0x1], $0xffff;
	s17 =	smov.u32 s14  }
.LBB2_3:
0x3e: {  	p1 =	sne.s32 s18, $0x600;
	_ =	sdelay $0x4  }
0x3f: {  	vm2 =	vgt.s32 v0, $0x0  }
0x40: {  	v0 =	vnsel vm2, $0x0, v0  }
0x41: {  	v0 =	vmin.u32 v0, $0x4E1F  }
0x42: {  	v0 =	vshll.u32 v0, $0x4;
	_ =	sdelay $0x3  }
.Ltmp3:
0x43: {  	s19 =	sshra.s32 s18, $0x2;
	s17 =	sadd.s32 $0x800, s17;
	(pc) =	sbr.rel @p1 .LBB2_3-.Ltmp3, $4  }
0x44: {  	[tilespmem:s17], [sflag:$0x1] =	stream.indirect_vreg.gather [hbm:s4], $0x80, v0, vm0, $0x38;
	[tilespmem:$0x19320] =	vst v63  }
0x45: {  	s19 =	sadd.s32 s19, s16;
	s20 =	sadd.s32 $0x400, s17  }
0x46: {  	[tilespmem:s20], [sflag:$0x1] =	stream.indirect_vreg.gather [hbm:s4], $0x80, v0, vm1, $0x38;
	[tilespmem:$0x19320] =	vst v63  }
0x47: {  	s18 =	sadd.s32 $0x40, s18;
	v0 =	vld.msk [tilespmem:s19+$0x0 ss:$0x1], $0xffff  }
0x48: {  	_ =	sdelay $0x3  }
0x49: {  	vm2 =	vgt.s32 v0, $0x0  }
0x4a: {  	v0 =	vnsel vm2, $0x0, v0  }
0x4b: {  	v0 =	vmin.u32 v0, $0x4E1F  }
0x4c: {  	v0 =	vshll.u32 v0, $0x4;
	_ =	sdelay $0x3  }
0x4d: {  	s16 =	sadd.s32 $0x800, s17  }
0x4e: {  	[tilespmem:s16], [sflag:$0x1] =	stream.indirect_vreg.gather [hbm:s4], $0x80, v0, vm0, $0x38;
	[tilespmem:$0x19320] =	vst v63  }
0x4f: {  	s16 =	sadd.s32 $0x400, s16  }
0x50: {  	[tilespmem:s16], [sflag:$0x1] =	stream.indirect_vreg.gather [hbm:s4], $0x80, v0, vm1, $0x38;
	[tilespmem:$0x19320] =	vst v63  }
0x51: {  	s13 =	sshll.u32 s13, $0x4;
	_ =	swait.ge [sflag:s6], $0xC800  }
0x52: {  	s13 =	sadd.s32 s13, s9;
	[sflag:s6] =	ssyncset.done $0x0  }
0x53: {  	s17 =	sadd.s32 $0x0, s13;
	s16 =	simm.s32 $0x80;
	[sflag:s6] =	ssyncadd.s32 $0xFFFF3800  }
.LBB2_5:
0x54: {  	[hbm:s17] =	stream.linear.scatter [tilespmem:s14], [sflag:$0x3], $0x400, $0x38;
	[tilespmem:$0x19320] =	vst v63  }
0x55: {  	s17 =	smov.u32 s16;
	s14 =	smov.u32 s15;
	p1 =	sne.s32 s16, $0x1880  }
.Ltmp4:
0x56: {  	s16 =	sadd.s32 $0x80, s16;
	(pc) =	sbr.rel @p1 .LBB2_5-.Ltmp4, $2  }
0x57: {  	_ =	sdelay $0x2  }
0x58: {  	s15 =	sadd.s32 $0x400, s15;
	s17 =	sadd.s32 s17, s13  }
.Ltmp5:
0x59: {  	_ = 	snop;
	(pc) =	sbr.rel .LBB2_6-.Ltmp5, $1  }
0x5a: {  	_ =	sdelay $0x3  }
.LBB2_8:
0x5b: {  	_ =	sfence.sel $0x180000  }
0x5c: {  	s1 =	simm.s32 $0x2;
	[bflag:$0x0] =	sbarrier.arrive $0xFFFF  }
0x5d: {  	s30 =	simm.s32 $0x3;
	[sflag:s1] =	ssyncpa.u1 $0x1  }
0x5e: {  	s31 =	simm.s32 $0x1;
	[sflag:s30] =	ssyncpa.u1 $0x1  }
0x5f: {  	[sflag:s31] =	ssyncpa.u1 $0x1  }
0x60: {  	p0 =	sne.s32 s0, $0x0;
	_ =	strace $0x9000004A  }
0x61: {  	s0 =	sadd.s32 @!p0 $0x100000, s2;
	[bflag:$0x2] =	sbarrier.arrive $0xFFFF  }
0x62: {  	[sflag:s0] =	ssyncadd.tile.s32 @!p0 $0x1;
	_ =	shalt  }
.Lfunc_end2:
_tile_overlayer_lowered:
.L_overlay_start_2:
0x63: {  	(tag) =	ssettag $0x2  }
0x64: {  	s0 =	rddreg [dreg:$0x0];
	s2 =	stileid.u32  }
0x65: {  	s1 =	rddreg [dreg:$0x1];
	p0 =	sne.s32 s2, $0x0  }
0x66: {  	s3 =	rddreg [dreg:$0x2];
	[bflag:$0x3] =	sbarrier.arrive $0xFFFF;
	s2 =	simm.s32 @!p0 $0x1C01  }
0x67: {  	[timem:s3], [sflag:s2] =	dma.local @!p0 [hbm:s0], s1  }
0x68: {  	s0 =	simm.s32 @!p0 $0x1  }
0x69: {  	_ =	swait.ge @!p0 [sflag:s0], s1  }
0x6a: {  	s1 =	ssub.s32 @!p0 $0x0, s1;
	[sflag:s0] =	ssyncset.done @!p0 $0x0  }
0x6b: {  	[sflag:s0] =	ssyncadd.s32 @!p0 s1  }
0x6c: {  	[bflag:$0x3] =	sbarrier.arrive $0xFFFF  }
0x6d: {  	_ =	shalt  }

</sc_bundles>
